<compile_context>
chip_gen: v7x
topology: tpu7x:2x2x1
jax: 0.10.2.dev20260603
libtpu: 0.0.44.dev20260713+nightly
codegen_flags: <defaults>
</compile_context>

<pallas_src>
import functools

import jax
import jax.numpy as jnp
from jax import lax
from jax.experimental import pallas as pl
from jax.experimental.pallas import tpu as pltpu
from jax.experimental.pallas import tpu_sc as plsc

B, N, E = 64, 8192, 24576
MCW = 3
RW1 = 5
NC, NS = 2, 16
NW = NC * NS
CHK_CHUNK_E = 1024
CHK_CHUNK_W = CHK_CHUNK_E * RW1
N_CHUNKS = E // CHK_CHUNK_E

def _body(chan_hbm, e2ollr_hbm, ev_hbm, o2e_hbm, chk_hbm,
          out_hbm, e2oout_hbm,
          ev_v, o2e_v, val_v, chan_v, llr_v, llre_v, chk0_v, chk1_v,
          sem_stage, sem_a, sem_b):
    cid = lax.axis_index("c")
    sid = lax.axis_index("s")
    wid = sid * NC + cid
    iota = lax.iota(jnp.int32, 16)
    i3 = iota * 3
    i5 = iota * 5
    sign_mask = jnp.int32(-2147483648)

    def do_batch(b):
        d_ev = pltpu.async_copy(ev_hbm.at[b], ev_v, sem_stage)
        d_val = pltpu.async_copy(e2ollr_hbm.at[b], val_v, sem_stage)
        d_chan = pltpu.async_copy(chan_hbm.at[b], chan_v, sem_stage)
        d_o2e = pltpu.async_copy(o2e_hbm.at[b], o2e_v, sem_stage)
        d_chk0 = pltpu.async_copy(
            chk_hbm.at[b, pl.ds(0, CHK_CHUNK_W)], chk0_v, sem_a)
        d_ev.wait()
        d_val.wait()
        d_chan.wait()

        def a1(g, c_):
            base = g * 16
            ib = g * (16 * MCW)
            s = chan_v[pl.ds(base, 16)]
            for c in range(MCW):
                idx = plsc.load_gather(ev_v, [ib + c + i3])
                s = s + plsc.load_gather(val_v, [idx])
            llr_v[pl.ds(base, 16)] = s
            return c_
        lax.fori_loop(0, N // 16, a1, 0)

        d_o2e.wait()

        def a2(g, c_):
            base = g * 16
            o = o2e_v[pl.ds(base, 16)]
            llre_v[pl.ds(base, 16)] = (
                plsc.load_gather(llr_v, [o]) - val_v[pl.ds(base, 16)])
            return c_
        lax.fori_loop(0, E // 16, a2, 0)

        def chunk_compute(ch, chk_slot):
            def grp(g, c_):
                pb = g * (16 * RW1)
                idx = plsc.load_gather(chk_slot, [pb + i5])
                v = plsc.load_gather(llre_v, [idx])
                mn = jnp.abs(v)
                sg = plsc.bitcast(v, jnp.int32)
                for k in range(1, RW1):
                    idx = plsc.load_gather(chk_slot, [pb + k + i5])
                    v = plsc.load_gather(llre_v, [idx])
                    mn = jnp.minimum(mn, jnp.abs(v))
                    sg = sg ^ plsc.bitcast(v, jnp.int32)
                r = plsc.bitcast(
                    plsc.bitcast(mn, jnp.int32) | (sg & sign_mask),
                    jnp.float32)
                val_v[pl.ds(ch * CHK_CHUNK_E + g * 16, 16)] = r
                return c_
            lax.fori_loop(0, CHK_CHUNK_E // 16, grp, 0)

        def bpair(p, c_):
            for s_ in range(2):
                ch = p * 2 + s_
                slot = chk0_v if s_ == 0 else chk1_v
                sem_cur = sem_a if s_ == 0 else sem_b
                sem_nxt = sem_b if s_ == 0 else sem_a
                nslot = chk1_v if s_ == 0 else chk0_v
                pltpu.make_async_copy(
                    chk_hbm.at[b, pl.ds(ch * CHK_CHUNK_W, CHK_CHUNK_W)],
                    slot, sem_cur).wait()
                @pl.when(ch + 1 < N_CHUNKS)
                def _():
                    pltpu.async_copy(
                        chk_hbm.at[b, pl.ds((ch + 1) * CHK_CHUNK_W,
                                            CHK_CHUNK_W)],
                        nslot, sem_nxt)
                chunk_compute(ch, slot)
            return c_
        del d_chk0
        lax.fori_loop(0, N_CHUNKS // 2, bpair, 0)

        d_e2o_out = pltpu.async_copy(val_v, e2oout_hbm.at[b], sem_stage)

        def cgrp(g, c_):
            base = g * 16
            ib = g * (16 * MCW)
            s = chan_v[pl.ds(base, 16)]
            for c in range(MCW):
                idx = plsc.load_gather(ev_v, [ib + c + i3])
                s = s + plsc.load_gather(val_v, [idx])
            llr_v[pl.ds(base, 16)] = s
            return c_
        lax.fori_loop(0, N // 16, cgrp, 0)

        d_e2o_out.wait()
        pltpu.sync_copy(llr_v, out_hbm.at[b])

    for i in range(B // NW):
        do_batch(wid + i * NW)


@jax.jit
def _mslayer(chan, e2ollr, ev_flat, o2e, chk_flat):
    f = pl.kernel(
        _body,
        out_type=(jax.ShapeDtypeStruct((B, N), jnp.float32),
                  jax.ShapeDtypeStruct((B, E), jnp.float32)),
        mesh=plsc.VectorSubcoreMesh(core_axis_name="c", subcore_axis_name="s"),
        compiler_params=pltpu.CompilerParams(needs_layout_passes=False),
        scratch_types=[
            pltpu.VMEM((N * MCW,), jnp.int32),
            pltpu.VMEM((E,), jnp.int32),
            pltpu.VMEM((E,), jnp.float32),
            pltpu.VMEM((N,), jnp.float32),
            pltpu.VMEM((N,), jnp.float32),
            pltpu.VMEM((E,), jnp.float32),
            pltpu.VMEM((CHK_CHUNK_W,), jnp.int32),
            pltpu.VMEM((CHK_CHUNK_W,), jnp.int32),
            pltpu.SemaphoreType.DMA,
            pltpu.SemaphoreType.DMA,
            pltpu.SemaphoreType.DMA,
        ],
    )
    return f(chan, e2ollr, ev_flat, o2e, chk_flat)


def kernel(channelLLR, e2oLLR, maxColWeight, edgeToVar, edgeToVarMask,
           oddToEven, edgeToChk, rowWeight):
    ev_flat = edgeToVar.reshape(B, N * MCW)
    chk_flat = edgeToChk.reshape(B, E * RW1)
    return _mslayer(channelLLR, e2oLLR, ev_flat, oddToEven, chk_flat)

# --- scband reference (transcript-rebuilt; emitter-appended) ---
"""Pipeline reference for scband-mslayer-42606075576368 (READ-ONLY COPY).

The authoritative reference and input builder live on the scoring server;
editing this copy changes nothing except your own understanding.
"""

import jax, jax.numpy as jnp
import numpy as np

B, N, E = 64, 8192, 24576
MAX_COL_WEIGHT = 3
ROW_WEIGHT = 6


def setup_inputs(seed: int = 0) -> dict:
    key = jax.random.key(seed)
    k1, k2, k3, k4, k5 = jax.random.split(key, 5)
    channelLLR = jax.random.normal(k1, (B, N), dtype=jnp.float32)
    e2oLLR = jax.random.normal(k2, (B, E), dtype=jnp.float32)
    edgeToVar = jax.random.randint(k3, (B, N, MAX_COL_WEIGHT), 0, E, dtype=jnp.int32)
    edgeToVarMask = jnp.ones((B, N, MAX_COL_WEIGHT), dtype=jnp.float32)
    oddToEven = jax.random.randint(k4, (B, E), 0, N, dtype=jnp.int32)
    edgeToChk = jax.random.randint(k5, (B, E, ROW_WEIGHT - 1), 0, E, dtype=jnp.int32)
    return {
        "channelLLR": channelLLR,
        "e2oLLR": e2oLLR,
        "maxColWeight": MAX_COL_WEIGHT,
        "edgeToVar": edgeToVar,
        "edgeToVarMask": edgeToVarMask,
        "oddToEven": oddToEven,
        "edgeToChk": edgeToChk,
        "rowWeight": ROW_WEIGHT,
    }


def reference(channelLLR, e2oLLR, maxColWeight, edgeToVar, edgeToVarMask, oddToEven, edgeToChk, rowWeight):
    Bb = channelLLR.shape[0]
    mcw = edgeToVar.shape[2]
    rw = edgeToChk.shape[2] + 1
    alpha = jnp.float32(1.0) * (rowWeight // rw)
    mask = edgeToVarMask * (maxColWeight // mcw)
    # variable-node update: gather edge messages per variable
    msgToVars = jnp.take_along_axis(e2oLLR, edgeToVar.reshape(Bb, -1), axis=1)
    msgToVars = msgToVars.reshape(Bb, -1, mcw)
    msgToVars = msgToVars * mask
    llr = channelLLR + jnp.sum(msgToVars, axis=2)
    # per-edge extrinsic LLR
    llr = jnp.take_along_axis(llr, oddToEven, axis=1)
    llr = llr - e2oLLR
    # check-node update (min-sum): gather rowWeight-1 sibling edges per edge
    msgToChecks = jnp.take_along_axis(llr, edgeToChk.reshape(Bb, -1), axis=1)
    msgToChecks = msgToChecks.reshape(Bb, -1, rw - 1)
    mn = jnp.min(jnp.abs(msgToChecks), axis=2)
    sgn = jnp.prod(jnp.sign(msgToChecks), axis=2)
    mn = mn * alpha
    e2o = sgn * mn
    # marginalized output
    out = jnp.take_along_axis(e2o, edgeToVar.reshape(Bb, -1), axis=1)
    out = out.reshape(Bb, -1, mcw)
    out = out * mask
    out = channelLLR + jnp.sum(out, axis=2)
    return (out, e2o)

if __name__ == "__main__":
    import jax
    _d = setup_inputs()
    print(jax.jit(kernel)(*tuple(_d.values())))

</pallas_src>

<mosaic_0001>
#map = affine_map<(d0, d1) -> (0, 0)>
module attributes {stable_mosaic.version = 14 : i64} {
  func.func @_body(%arg0: i32, %arg1: i32, %arg2: memref<64x8192xf32, #tpu.memory_space<hbm>>, %arg3: memref<64x24576xf32, #tpu.memory_space<hbm>>, %arg4: memref<64x24576xi32, #tpu.memory_space<hbm>>, %arg5: memref<64x24576xi32, #tpu.memory_space<hbm>>, %arg6: memref<64x122880xi32, #tpu.memory_space<hbm>>, %arg7: memref<64x8192xf32, #tpu.memory_space<hbm>>, %arg8: memref<64x24576xf32, #tpu.memory_space<hbm>>, %arg9: memref<24576xi32, #tpu.memory_space<vmem>>, %arg10: memref<24576xi32, #tpu.memory_space<vmem>>, %arg11: memref<24576xf32, #tpu.memory_space<vmem>>, %arg12: memref<8192xf32, #tpu.memory_space<vmem>>, %arg13: memref<8192xf32, #tpu.memory_space<vmem>>, %arg14: memref<24576xf32, #tpu.memory_space<vmem>>, %arg15: memref<5120xi32, #tpu.memory_space<vmem>>, %arg16: memref<5120xi32, #tpu.memory_space<vmem>>, %arg17: memref<!tpu.dma_semaphore, #tpu.memory_space<semaphore_mem>>, %arg18: memref<!tpu.dma_semaphore, #tpu.memory_space<semaphore_mem>>, %arg19: memref<!tpu.dma_semaphore, #tpu.memory_space<semaphore_mem>>) attributes {dimension_semantics = [#tpu.dimension_semantics<core_parallel>, #tpu.dimension_semantics<subcore_parallel>], iteration_bounds = array<i64: 2, 16>, scalar_prefetch = 0 : i64, scratch_operands = 11 : i64, tpu.core_type = #tpu.core_type<sc_vector_subcore>, window_params = [{transform_indices = #map}, {transform_indices = #map}, {transform_indices = #map}, {transform_indices = #map}, {transform_indices = #map}, {transform_indices = #map}, {transform_indices = #map}]} {
    %mul3A = arith.constant 2 : i32
    %mul3A_0 = arith.muli %arg1, %mul3A : i32
    %add3A = arith.addi %mul3A_0, %arg0 : i32
    %iota3A = tpu.iota {dimensions = array<i32: 0>} : vector<16xi32>
    %mul3A_1 = arith.constant 3 : i32
    %mul3A_2 = vector.broadcast %mul3A_1 : i32 to vector<16xi32>
    %mul3A_3 = arith.muli %iota3A, %mul3A_2 : vector<16xi32>
    %mul3A_4 = arith.constant 5 : i32
    %mul3A_5 = vector.broadcast %mul3A_4 : i32 to vector<16xi32>
    %mul3A_6 = arith.muli %iota3A, %mul3A_5 : vector<16xi32>
    %add3A_7 = arith.constant 0 : i32
    %add3A_8 = arith.addi %add3A, %add3A_7 : i32
    %dma_start3A = arith.constant 0 : i32
    %dma_start3A_9 = tpu.memref_slice %arg4[%add3A_8, %dma_start3A] : memref<64x24576xi32, #tpu.memory_space<hbm>> -> memref<1x24576xi32, #tpu.memory_space<hbm>>
    %dma_start3A_10 = tpu.memref_squeeze %dma_start3A_9 : memref<1x24576xi32, #tpu.memory_space<hbm>> -> memref<24576xi32, #tpu.memory_space<hbm>>
    %dma_start3A_11 = arith.constant 0 : i32
    %dma_start3A_12 = tpu.memref_slice %arg4[%add3A_8, %dma_start3A_11] : memref<64x24576xi32, #tpu.memory_space<hbm>> -> memref<1x24576xi32, #tpu.memory_space<hbm>>
    %dma_start3A_13 = tpu.memref_squeeze %dma_start3A_12 : memref<1x24576xi32, #tpu.memory_space<hbm>> -> memref<24576xi32, #tpu.memory_space<hbm>>
    tpu.enqueue_dma source(%dma_start3A_13 : memref<24576xi32, #tpu.memory_space<hbm>>) target(%arg9 : memref<24576xi32, #tpu.memory_space<vmem>>) target_semaphore(%arg17 : memref<!tpu.dma_semaphore, #tpu.memory_space<semaphore_mem>>)
    %dma_start3A_14 = arith.constant 0 : i32
    %dma_start3A_15 = tpu.memref_slice %arg3[%add3A_8, %dma_start3A_14] : memref<64x24576xf32, #tpu.memory_space<hbm>> -> memref<1x24576xf32, #tpu.memory_space<hbm>>
    %dma_start3A_16 = tpu.memref_squeeze %dma_start3A_15 : memref<1x24576xf32, #tpu.memory_space<hbm>> -> memref<24576xf32, #tpu.memory_space<hbm>>
    %dma_start3A_17 = arith.constant 0 : i32
    %dma_start3A_18 = tpu.memref_slice %arg3[%add3A_8, %dma_start3A_17] : memref<64x24576xf32, #tpu.memory_space<hbm>> -> memref<1x24576xf32, #tpu.memory_space<hbm>>
    %dma_start3A_19 = tpu.memref_squeeze %dma_start3A_18 : memref<1x24576xf32, #tpu.memory_space<hbm>> -> memref<24576xf32, #tpu.memory_space<hbm>>
    tpu.enqueue_dma source(%dma_start3A_19 : memref<24576xf32, #tpu.memory_space<hbm>>) target(%arg11 : memref<24576xf32, #tpu.memory_space<vmem>>) target_semaphore(%arg17 : memref<!tpu.dma_semaphore, #tpu.memory_space<semaphore_mem>>)
    %dma_start3A_20 = arith.constant 0 : i32
    %dma_start3A_21 = tpu.memref_slice %arg2[%add3A_8, %dma_start3A_20] : memref<64x8192xf32, #tpu.memory_space<hbm>> -> memref<1x8192xf32, #tpu.memory_space<hbm>>
    %dma_start3A_22 = tpu.memref_squeeze %dma_start3A_21 : memref<1x8192xf32, #tpu.memory_space<hbm>> -> memref<8192xf32, #tpu.memory_space<hbm>>
    %dma_start3A_23 = arith.constant 0 : i32
    %dma_start3A_24 = tpu.memref_slice %arg2[%add3A_8, %dma_start3A_23] : memref<64x8192xf32, #tpu.memory_space<hbm>> -> memref<1x8192xf32, #tpu.memory_space<hbm>>
    %dma_start3A_25 = tpu.memref_squeeze %dma_start3A_24 : memref<1x8192xf32, #tpu.memory_space<hbm>> -> memref<8192xf32, #tpu.memory_space<hbm>>
    tpu.enqueue_dma source(%dma_start3A_25 : memref<8192xf32, #tpu.memory_space<hbm>>) target(%arg12 : memref<8192xf32, #tpu.memory_space<vmem>>) target_semaphore(%arg17 : memref<!tpu.dma_semaphore, #tpu.memory_space<semaphore_mem>>)
    %dma_start3A_26 = arith.constant 0 : i32
    %dma_start3A_27 = tpu.memref_slice %arg5[%add3A_8, %dma_start3A_26] : memref<64x24576xi32, #tpu.memory_space<hbm>> -> memref<1x24576xi32, #tpu.memory_space<hbm>>
    %dma_start3A_28 = tpu.memref_squeeze %dma_start3A_27 : memref<1x24576xi32, #tpu.memory_space<hbm>> -> memref<24576xi32, #tpu.memory_space<hbm>>
    %dma_start3A_29 = arith.constant 0 : i32
    %dma_start3A_30 = tpu.memref_slice %arg5[%add3A_8, %dma_start3A_29] : memref<64x24576xi32, #tpu.memory_space<hbm>> -> memref<1x24576xi32, #tpu.memory_space<hbm>>
    %dma_start3A_31 = tpu.memref_squeeze %dma_start3A_30 : memref<1x24576xi32, #tpu.memory_space<hbm>> -> memref<24576xi32, #tpu.memory_space<hbm>>
    tpu.enqueue_dma source(%dma_start3A_31 : memref<24576xi32, #tpu.memory_space<hbm>>) target(%arg10 : memref<24576xi32, #tpu.memory_space<vmem>>) target_semaphore(%arg17 : memref<!tpu.dma_semaphore, #tpu.memory_space<semaphore_mem>>)
    %dma_start3A_32 = arith.constant 0 : i32
    %dma_start3A_33 = tpu.memref_slice %arg6[%add3A_8, %dma_start3A_32] : memref<64x122880xi32, #tpu.memory_space<hbm>> -> memref<1x5120xi32, #tpu.memory_space<hbm>>
    %dma_start3A_34 = tpu.memref_squeeze %dma_start3A_33 : memref<1x5120xi32, #tpu.memory_space<hbm>> -> memref<5120xi32, #tpu.memory_space<hbm>>
    %dma_start3A_35 = arith.constant 0 : i32
    %dma_start3A_36 = tpu.memref_slice %arg6[%add3A_8, %dma_start3A_35] : memref<64x122880xi32, #tpu.memory_space<hbm>> -> memref<1x5120xi32, #tpu.memory_space<hbm>>
    %dma_start3A_37 = tpu.memref_squeeze %dma_start3A_36 : memref<1x5120xi32, #tpu.memory_space<hbm>> -> memref<5120xi32, #tpu.memory_space<hbm>>
    tpu.enqueue_dma source(%dma_start3A_37 : memref<5120xi32, #tpu.memory_space<hbm>>) target(%arg15 : memref<5120xi32, #tpu.memory_space<vmem>>) target_semaphore(%arg18 : memref<!tpu.dma_semaphore, #tpu.memory_space<semaphore_mem>>)
    %dma_wait3A = arith.constant 0 : i32
    %dma_wait3A_38 = tpu.memref_slice %arg4[%add3A_8, %dma_wait3A] : memref<64x24576xi32, #tpu.memory_space<hbm>> -> memref<1x24576xi32, #tpu.memory_space<hbm>>
    %dma_wait3A_39 = tpu.memref_squeeze %dma_wait3A_38 : memref<1x24576xi32, #tpu.memory_space<hbm>> -> memref<24576xi32, #tpu.memory_space<hbm>>
    %dma_wait3A_40 = arith.constant 0 : i32
    %dma_wait3A_41 = tpu.memref_slice %arg4[%add3A_8, %dma_wait3A_40] : memref<64x24576xi32, #tpu.memory_space<hbm>> -> memref<1x24576xi32, #tpu.memory_space<hbm>>
    %dma_wait3A_42 = tpu.memref_squeeze %dma_wait3A_41 : memref<1x24576xi32, #tpu.memory_space<hbm>> -> memref<24576xi32, #tpu.memory_space<hbm>>
    tpu.wait_dma2 semaphore(%arg17 : memref<!tpu.dma_semaphore, #tpu.memory_space<semaphore_mem>>) src(%dma_wait3A_42 : memref<24576xi32, #tpu.memory_space<hbm>>) dst(%arg9 : memref<24576xi32, #tpu.memory_space<vmem>>)
    %dma_wait3A_43 = arith.constant 0 : i32
    %dma_wait3A_44 = tpu.memref_slice %arg3[%add3A_8, %dma_wait3A_43] : memref<64x24576xf32, #tpu.memory_space<hbm>> -> memref<1x24576xf32, #tpu.memory_space<hbm>>
    %dma_wait3A_45 = tpu.memref_squeeze %dma_wait3A_44 : memref<1x24576xf32, #tpu.memory_space<hbm>> -> memref<24576xf32, #tpu.memory_space<hbm>>
    %dma_wait3A_46 = arith.constant 0 : i32
    %dma_wait3A_47 = tpu.memref_slice %arg3[%add3A_8, %dma_wait3A_46] : memref<64x24576xf32, #tpu.memory_space<hbm>> -> memref<1x24576xf32, #tpu.memory_space<hbm>>
    %dma_wait3A_48 = tpu.memref_squeeze %dma_wait3A_47 : memref<1x24576xf32, #tpu.memory_space<hbm>> -> memref<24576xf32, #tpu.memory_space<hbm>>
    tpu.wait_dma2 semaphore(%arg17 : memref<!tpu.dma_semaphore, #tpu.memory_space<semaphore_mem>>) src(%dma_wait3A_48 : memref<24576xf32, #tpu.memory_space<hbm>>) dst(%arg11 : memref<24576xf32, #tpu.memory_space<vmem>>)
    %dma_wait3A_49 = arith.constant 0 : i32
    %dma_wait3A_50 = tpu.memref_slice %arg2[%add3A_8, %dma_wait3A_49] : memref<64x8192xf32, #tpu.memory_space<hbm>> -> memref<1x8192xf32, #tpu.memory_space<hbm>>
    %dma_wait3A_51 = tpu.memref_squeeze %dma_wait3A_50 : memref<1x8192xf32, #tpu.memory_space<hbm>> -> memref<8192xf32, #tpu.memory_space<hbm>>
    %dma_wait3A_52 = arith.constant 0 : i32
    %dma_wait3A_53 = tpu.memref_slice %arg2[%add3A_8, %dma_wait3A_52] : memref<64x8192xf32, #tpu.memory_space<hbm>> -> memref<1x8192xf32, #tpu.memory_space<hbm>>
    %dma_wait3A_54 = tpu.memref_squeeze %dma_wait3A_53 : memref<1x8192xf32, #tpu.memory_space<hbm>> -> memref<8192xf32, #tpu.memory_space<hbm>>
    tpu.wait_dma2 semaphore(%arg17 : memref<!tpu.dma_semaphore, #tpu.memory_space<semaphore_mem>>) src(%dma_wait3A_54 : memref<8192xf32, #tpu.memory_space<hbm>>) dst(%arg12 : memref<8192xf32, #tpu.memory_space<vmem>>)
    %scan3A = arith.constant 0 : i32
    %scan3A_55 = arith.constant 0 : i32
    %scan3A_56 = arith.constant 512 : i32
    %scan3A_57 = arith.addi %scan3A_55, %scan3A_56 : i32
    %scan3A_58 = arith.constant 1 : i32
    scf.for %scan3A_190 = %scan3A_55 to %scan3A_57 step %scan3A_58  : i32 {
      %mul3A_191 = arith.constant 16 : i32
      %mul3A_192 = arith.muli %scan3A_190, %mul3A_191 : i32
      %mul3A_193 = arith.constant 48 : i32
      %mul3A_194 = arith.muli %scan3A_190, %mul3A_193 : i32
      %get3A = arith.index_cast %mul3A_192 : i32 to index
      %get3A_195 = tpu.vector_load %arg12[%get3A] {strides = array<i32>} : memref<8192xf32, #tpu.memory_space<vmem>>, vector<16xf32>,
      %add3A_196 = arith.constant 0 : i32
      %add3A_197 = arith.addi %mul3A_194, %add3A_196 : i32
      %add3A_198 = vector.broadcast %add3A_197 : i32 to vector<16xi32>
      %add3A_199 = arith.addi %add3A_198, %mul3A_3 : vector<16xi32>
      %gather3A = tpu.vector_load_idx %arg9[%add3A_199] : memref<24576xi32, #tpu.memory_space<vmem>>[vector<16xi32>], vector<16xi32>,
      %gather3A_200 = tpu.vector_load_idx %arg11[%gather3A] : memref<24576xf32, #tpu.memory_space<vmem>>[vector<16xi32>], vector<16xf32>,
      %add3A_201 = arith.addf %get3A_195, %gather3A_200 : vector<16xf32>
      %add3A_202 = arith.constant 1 : i32
      %add3A_203 = arith.addi %mul3A_194, %add3A_202 : i32
      %add3A_204 = vector.broadcast %add3A_203 : i32 to vector<16xi32>
      %add3A_205 = arith.addi %add3A_204, %mul3A_3 : vector<16xi32>
      %gather3A_206 = tpu.vector_load_idx %arg9[%add3A_205] : memref<24576xi32, #tpu.memory_space<vmem>>[vector<16xi32>], vector<16xi32>,
      %gather3A_207 = tpu.vector_load_idx %arg11[%gather3A_206] : memref<24576xf32, #tpu.memory_space<vmem>>[vector<16xi32>], vector<16xf32>,
      %add3A_208 = arith.addf %add3A_201, %gather3A_207 : vector<16xf32>
      %add3A_209 = arith.constant 2 : i32
      %add3A_210 = arith.addi %mul3A_194, %add3A_209 : i32
      %add3A_211 = vector.broadcast %add3A_210 : i32 to vector<16xi32>
      %add3A_212 = arith.addi %add3A_211, %mul3A_3 : vector<16xi32>
      %gather3A_213 = tpu.vector_load_idx %arg9[%add3A_212] : memref<24576xi32, #tpu.memory_space<vmem>>[vector<16xi32>], vector<16xi32>,
      %gather3A_214 = tpu.vector_load_idx %arg11[%gather3A_213] : memref<24576xf32, #tpu.memory_space<vmem>>[vector<16xi32>], vector<16xf32>,
      %add3A_215 = arith.addf %add3A_208, %gather3A_214 : vector<16xf32>
      %swap3A = arith.index_cast %mul3A_192 : i32 to index
      %swap3A_216 = tpu.vector_load %arg13[%swap3A] {strides = array<i32>} : memref<8192xf32, #tpu.memory_space<vmem>>, vector<16xf32>,
      tpu.vector_store %arg13[%swap3A], %add3A_215 {strides = array<i32>} : memref<8192xf32, #tpu.memory_space<vmem>>, vector<16xf32>,
    }
    %scan3A_59 = arith.constant 512 : i32
    %dma_wait3A_60 = arith.constant 0 : i32
    %dma_wait3A_61 = tpu.memref_slice %arg5[%add3A_8, %dma_wait3A_60] : memref<64x24576xi32, #tpu.memory_space<hbm>> -> memref<1x24576xi32, #tpu.memory_space<hbm>>
    %dma_wait3A_62 = tpu.memref_squeeze %dma_wait3A_61 : memref<1x24576xi32, #tpu.memory_space<hbm>> -> memref<24576xi32, #tpu.memory_space<hbm>>
    %dma_wait3A_63 = arith.constant 0 : i32
    %dma_wait3A_64 = tpu.memref_slice %arg5[%add3A_8, %dma_wait3A_63] : memref<64x24576xi32, #tpu.memory_space<hbm>> -> memref<1x24576xi32, #tpu.memory_space<hbm>>
    %dma_wait3A_65 = tpu.memref_squeeze %dma_wait3A_64 : memref<1x24576xi32, #tpu.memory_space<hbm>> -> memref<24576xi32, #tpu.memory_space<hbm>>
    tpu.wait_dma2 semaphore(%arg17 : memref<!tpu.dma_semaphore, #tpu.memory_space<semaphore_mem>>) src(%dma_wait3A_65 : memref<24576xi32, #tpu.memory_space<hbm>>) dst(%arg10 : memref<24576xi32, #tpu.memory_space<vmem>>)
    %scan3A_66 = arith.constant 0 : i32
    %scan3A_67 = arith.constant 0 : i32
    %scan3A_68 = arith.constant 1536 : i32
    %scan3A_69 = arith.addi %scan3A_67, %scan3A_68 : i32
    %scan3A_70 = arith.constant 1 : i32
    scf.for %scan3A_190 = %scan3A_67 to %scan3A_69 step %scan3A_70  : i32 {
      %mul3A_191 = arith.constant 16 : i32
      %mul3A_192 = arith.muli %scan3A_190, %mul3A_191 : i32
      %get3A = arith.index_cast %mul3A_192 : i32 to index
      %get3A_193 = tpu.vector_load %arg10[%get3A] {strides = array<i32>} : memref<24576xi32, #tpu.memory_space<vmem>>, vector<16xi32>,
      %gather3A = tpu.vector_load_idx %arg13[%get3A_193] : memref<8192xf32, #tpu.memory_space<vmem>>[vector<16xi32>], vector<16xf32>,
      %get3A_194 = arith.index_cast %mul3A_192 : i32 to index
      %get3A_195 = tpu.vector_load %arg11[%get3A_194] {strides = array<i32>} : memref<24576xf32, #tpu.memory_space<vmem>>, vector<16xf32>,
      %sub3A = arith.subf %gather3A, %get3A_195 : vector<16xf32>
      %swap3A = arith.index_cast %mul3A_192 : i32 to index
      %swap3A_196 = tpu.vector_load %arg14[%swap3A] {strides = array<i32>} : memref<24576xf32, #tpu.memory_space<vmem>>, vector<16xf32>,
      tpu.vector_store %arg14[%swap3A], %sub3A {strides = array<i32>} : memref<24576xf32, #tpu.memory_space<vmem>>, vector<16xf32>,
    }
    %scan3A_71 = arith.constant 1536 : i32
    %scan3A_72 = arith.constant 0 : i32
    %scan3A_73 = arith.constant -2147483648 : i32
    %scan3A_74 = arith.constant 0 : i32
    %scan3A_75 = arith.constant 12 : i32
    %scan3A_76 = arith.addi %scan3A_74, %scan3A_75 : i32
    %scan3A_77 = arith.constant 1 : i32
    scf.for %scan3A_190 = %scan3A_74 to %scan3A_76 step %scan3A_77  : i32 {
      %mul3A_191 = arith.constant 2 : i32
      %mul3A_192 = arith.muli %scan3A_190, %mul3A_191 : i32
      %add3A_193 = arith.constant 0 : i32
      %add3A_194 = arith.addi %mul3A_192, %add3A_193 : i32
      %mul3A_195 = arith.constant 5120 : i32
      %mul3A_196 = arith.muli %add3A_194, %mul3A_195 : i32
      %dma_wait3A_197 = tpu.memref_slice %arg6[%add3A_8, %mul3A_196] : memref<64x122880xi32, #tpu.memory_space<hbm>> -> memref<1x5120xi32, #tpu.memory_space<hbm>>
      %dma_wait3A_198 = tpu.memref_squeeze %dma_wait3A_197 : memref<1x5120xi32, #tpu.memory_space<hbm>> -> memref<5120xi32, #tpu.memory_space<hbm>>
      %dma_wait3A_199 = tpu.memref_slice %arg6[%add3A_8, %mul3A_196] : memref<64x122880xi32, #tpu.memory_space<hbm>> -> memref<1x5120xi32, #tpu.memory_space<hbm>>
      %dma_wait3A_200 = tpu.memref_squeeze %dma_wait3A_199 : memref<1x5120xi32, #tpu.memory_space<hbm>> -> memref<5120xi32, #tpu.memory_space<hbm>>
      tpu.wait_dma2 semaphore(%arg18 : memref<!tpu.dma_semaphore, #tpu.memory_space<semaphore_mem>>) src(%dma_wait3A_200 : memref<5120xi32, #tpu.memory_space<hbm>>) dst(%arg15 : memref<5120xi32, #tpu.memory_space<vmem>>)
      %add3A_201 = arith.constant 1 : i32
      %add3A_202 = arith.addi %add3A_194, %add3A_201 : i32
      %lt3A = arith.constant 24 : i32
      %lt3A_203 = arith.cmpi slt, %add3A_202, %lt3A : i32
      %convert_element_type3A = arith.extui %lt3A_203 : i1 to i32
      %cond3A = arith.constant 0 : i32
      %cond3A_204 = arith.cmpi ne, %convert_element_type3A, %cond3A : i32
      scf.if %cond3A_204 {
        %add3A_234 = arith.constant 1 : i32
        %add3A_235 = arith.addi %add3A_194, %add3A_234 : i32
        %mul3A_236 = arith.constant 5120 : i32
        %mul3A_237 = arith.muli %add3A_235, %mul3A_236 : i32
        %dma_start3A_238 = tpu.memref_slice %arg6[%add3A_8, %mul3A_237] : memref<64x122880xi32, #tpu.memory_space<hbm>> -> memref<1x5120xi32, #tpu.memory_space<hbm>>
        %dma_start3A_239 = tpu.memref_squeeze %dma_start3A_238 : memref<1x5120xi32, #tpu.memory_space<hbm>> -> memref<5120xi32, #tpu.memory_space<hbm>>
        %dma_start3A_240 = tpu.memref_slice %arg6[%add3A_8, %mul3A_237] : memref<64x122880xi32, #tpu.memory_space<hbm>> -> memref<1x5120xi32, #tpu.memory_space<hbm>>
        %dma_start3A_241 = tpu.memref_squeeze %dma_start3A_240 : memref<1x5120xi32, #tpu.memory_space<hbm>> -> memref<5120xi32, #tpu.memory_space<hbm>>
        tpu.enqueue_dma source(%dma_start3A_241 : memref<5120xi32, #tpu.memory_space<hbm>>) target(%arg16 : memref<5120xi32, #tpu.memory_space<vmem>>) target_semaphore(%arg19 : memref<!tpu.dma_semaphore, #tpu.memory_space<semaphore_mem>>)
      } else {
      }
      %scan3A_205 = arith.constant 0 : i32
      %scan3A_206 = arith.constant 0 : i32
      %scan3A_207 = arith.constant 64 : i32
      %scan3A_208 = arith.addi %scan3A_206, %scan3A_207 : i32
      %scan3A_209 = arith.constant 1 : i32
      scf.for %scan3A_234 = %scan3A_206 to %scan3A_208 step %scan3A_209  : i32 {
        %mul3A_235 = arith.constant 80 : i32
        %mul3A_236 = arith.muli %scan3A_234, %mul3A_235 : i32
        %add3A_237 = vector.broadcast %mul3A_236 : i32 to vector<16xi32>
        %add3A_238 = arith.addi %add3A_237, %mul3A_6 : vector<16xi32>
        %gather3A = tpu.vector_load_idx %arg15[%add3A_238] : memref<5120xi32, #tpu.memory_space<vmem>>[vector<16xi32>], vector<16xi32>,
        %gather3A_239 = tpu.vector_load_idx %arg14[%gather3A] : memref<24576xf32, #tpu.memory_space<vmem>>[vector<16xi32>], vector<16xf32>,
        %abs3A = math.absf %gather3A_239 : vector<16xf32>
        %bitcast3A = vector.bitcast %gather3A_239 : vector<16xf32> to vector<16xi32>
        %add3A_240 = arith.constant 1 : i32
        %add3A_241 = arith.addi %mul3A_236, %add3A_240 : i32
        %add3A_242 = vector.broadcast %add3A_241 : i32 to vector<16xi32>
        %add3A_243 = arith.addi %add3A_242, %mul3A_6 : vector<16xi32>
        %gather3A_244 = tpu.vector_load_idx %arg15[%add3A_243] : memref<5120xi32, #tpu.memory_space<vmem>>[vector<16xi32>], vector<16xi32>,
        %gather3A_245 = tpu.vector_load_idx %arg14[%gather3A_244] : memref<24576xf32, #tpu.memory_space<vmem>>[vector<16xi32>], vector<16xf32>,
        %abs3A_246 = math.absf %gather3A_245 : vector<16xf32>
        %min3A = arith.minimumf %abs3A, %abs3A_246 : vector<16xf32>
        %bitcast3A_247 = vector.bitcast %gather3A_245 : vector<16xf32> to vector<16xi32>
        %xor3A = arith.xori %bitcast3A, %bitcast3A_247 : vector<16xi32>
        %add3A_248 = arith.constant 2 : i32
        %add3A_249 = arith.addi %mul3A_236, %add3A_248 : i32
        %add3A_250 = vector.broadcast %add3A_249 : i32 to vector<16xi32>
        %add3A_251 = arith.addi %add3A_250, %mul3A_6 : vector<16xi32>
        %gather3A_252 = tpu.vector_load_idx %arg15[%add3A_251] : memref<5120xi32, #tpu.memory_space<vmem>>[vector<16xi32>], vector<16xi32>,
        %gather3A_253 = tpu.vector_load_idx %arg14[%gather3A_252] : memref<24576xf32, #tpu.memory_space<vmem>>[vector<16xi32>], vector<16xf32>,
        %abs3A_254 = math.absf %gather3A_253 : vector<16xf32>
        %min3A_255 = arith.minimumf %min3A, %abs3A_254 : vector<16xf32>
        %bitcast3A_256 = vector.bitcast %gather3A_253 : vector<16xf32> to vector<16xi32>
        %xor3A_257 = arith.xori %xor3A, %bitcast3A_256 : vector<16xi32>
        %add3A_258 = arith.constant 3 : i32
        %add3A_259 = arith.addi %mul3A_236, %add3A_258 : i32
        %add3A_260 = vector.broadcast %add3A_259 : i32 to vector<16xi32>
        %add3A_261 = arith.addi %add3A_260, %mul3A_6 : vector<16xi32>
        %gather3A_262 = tpu.vector_load_idx %arg15[%add3A_261] : memref<5120xi32, #tpu.memory_space<vmem>>[vector<16xi32>], vector<16xi32>,
        %gather3A_263 = tpu.vector_load_idx %arg14[%gather3A_262] : memref<24576xf32, #tpu.memory_space<vmem>>[vector<16xi32>], vector<16xf32>,
        %abs3A_264 = math.absf %gather3A_263 : vector<16xf32>
        %min3A_265 = arith.minimumf %min3A_255, %abs3A_264 : vector<16xf32>
        %bitcast3A_266 = vector.bitcast %gather3A_263 : vector<16xf32> to vector<16xi32>
        %xor3A_267 = arith.xori %xor3A_257, %bitcast3A_266 : vector<16xi32>
        %add3A_268 = arith.constant 4 : i32
        %add3A_269 = arith.addi %mul3A_236, %add3A_268 : i32
        %add3A_270 = vector.broadcast %add3A_269 : i32 to vector<16xi32>
        %add3A_271 = arith.addi %add3A_270, %mul3A_6 : vector<16xi32>
        %gather3A_272 = tpu.vector_load_idx %arg15[%add3A_271] : memref<5120xi32, #tpu.memory_space<vmem>>[vector<16xi32>], vector<16xi32>,
        %gather3A_273 = tpu.vector_load_idx %arg14[%gather3A_272] : memref<24576xf32, #tpu.memory_space<vmem>>[vector<16xi32>], vector<16xf32>,
        %abs3A_274 = math.absf %gather3A_273 : vector<16xf32>
        %min3A_275 = arith.minimumf %min3A_265, %abs3A_274 : vector<16xf32>
        %bitcast3A_276 = vector.bitcast %gather3A_273 : vector<16xf32> to vector<16xi32>
        %xor3A_277 = arith.xori %xor3A_267, %bitcast3A_276 : vector<16xi32>
        %bitcast3A_278 = vector.bitcast %min3A_275 : vector<16xf32> to vector<16xi32>
        %and3A = vector.broadcast %scan3A_73 : i32 to vector<16xi32>
        %and3A_279 = arith.andi %xor3A_277, %and3A : vector<16xi32>
        %or3A = arith.ori %bitcast3A_278, %and3A_279 : vector<16xi32>
        %bitcast3A_280 = vector.bitcast %or3A : vector<16xi32> to vector<16xf32>
        %mul3A_281 = arith.constant 1024 : i32
        %mul3A_282 = arith.muli %add3A_194, %mul3A_281 : i32
        %mul3A_283 = arith.constant 16 : i32
        %mul3A_284 = arith.muli %scan3A_234, %mul3A_283 : i32
        %add3A_285 = arith.addi %mul3A_282, %mul3A_284 : i32
        %swap3A = arith.index_cast %add3A_285 : i32 to index
        %swap3A_286 = tpu.vector_load %arg11[%swap3A] {strides = array<i32>} : memref<24576xf32, #tpu.memory_space<vmem>>, vector<16xf32>,
        tpu.vector_store %arg11[%swap3A], %bitcast3A_280 {strides = array<i32>} : memref<24576xf32, #tpu.memory_space<vmem>>, vector<16xf32>,
      }
      %scan3A_210 = arith.constant 64 : i32
      %mul3A_211 = arith.constant 2 : i32
      %mul3A_212 = arith.muli %scan3A_190, %mul3A_211 : i32
      %add3A_213 = arith.constant 1 : i32
      %add3A_214 = arith.addi %mul3A_212, %add3A_213 : i32
      %mul3A_215 = arith.constant 5120 : i32
      %mul3A_216 = arith.muli %add3A_214, %mul3A_215 : i32
      %dma_wait3A_217 = tpu.memref_slice %arg6[%add3A_8, %mul3A_216] : memref<64x122880xi32, #tpu.memory_space<hbm>> -> memref<1x5120xi32, #tpu.memory_space<hbm>>
      %dma_wait3A_218 = tpu.memref_squeeze %dma_wait3A_217 : memref<1x5120xi32, #tpu.memory_space<hbm>> -> memref<5120xi32, #tpu.memory_space<hbm>>
      %dma_wait3A_219 = tpu.memref_slice %arg6[%add3A_8, %mul3A_216] : memref<64x122880xi32, #tpu.memory_space<hbm>> -> memref<1x5120xi32, #tpu.memory_space<hbm>>
      %dma_wait3A_220 = tpu.memref_squeeze %dma_wait3A_219 : memref<1x5120xi32, #tpu.memory_space<hbm>> -> memref<5120xi32, #tpu.memory_space<hbm>>
      tpu.wait_dma2 semaphore(%arg19 : memref<!tpu.dma_semaphore, #tpu.memory_space<semaphore_mem>>) src(%dma_wait3A_220 : memref<5120xi32, #tpu.memory_space<hbm>>) dst(%arg16 : memref<5120xi32, #tpu.memory_space<vmem>>)
      %add3A_221 = arith.constant 1 : i32
      %add3A_222 = arith.addi %add3A_214, %add3A_221 : i32
      %lt3A_223 = arith.constant 24 : i32
      %lt3A_224 = arith.cmpi slt, %add3A_222, %lt3A_223 : i32
      %convert_element_type3A_225 = arith.extui %lt3A_224 : i1 to i32
      %cond3A_226 = arith.constant 0 : i32
      %cond3A_227 = arith.cmpi ne, %convert_element_type3A_225, %cond3A_226 : i32
      scf.if %cond3A_227 {
        %add3A_234 = arith.constant 1 : i32
        %add3A_235 = arith.addi %add3A_214, %add3A_234 : i32
        %mul3A_236 = arith.constant 5120 : i32
        %mul3A_237 = arith.muli %add3A_235, %mul3A_236 : i32
        %dma_start3A_238 = tpu.memref_slice %arg6[%add3A_8, %mul3A_237] : memref<64x122880xi32, #tpu.memory_space<hbm>> -> memref<1x5120xi32, #tpu.memory_space<hbm>>
        %dma_start3A_239 = tpu.memref_squeeze %dma_start3A_238 : memref<1x5120xi32, #tpu.memory_space<hbm>> -> memref<5120xi32, #tpu.memory_space<hbm>>
        %dma_start3A_240 = tpu.memref_slice %arg6[%add3A_8, %mul3A_237] : memref<64x122880xi32, #tpu.memory_space<hbm>> -> memref<1x5120xi32, #tpu.memory_space<hbm>>
        %dma_start3A_241 = tpu.memref_squeeze %dma_start3A_240 : memref<1x5120xi32, #tpu.memory_space<hbm>> -> memref<5120xi32, #tpu.memory_space<hbm>>
        tpu.enqueue_dma source(%dma_start3A_241 : memref<5120xi32, #tpu.memory_space<hbm>>) target(%arg15 : memref<5120xi32, #tpu.memory_space<vmem>>) target_semaphore(%arg18 : memref<!tpu.dma_semaphore, #tpu.memory_space<semaphore_mem>>)
      } else {
      }
      %scan3A_228 = arith.constant 0 : i32
      %scan3A_229 = arith.constant 0 : i32
      %scan3A_230 = arith.constant 64 : i32
      %scan3A_231 = arith.addi %scan3A_229, %scan3A_230 : i32
      %scan3A_232 = arith.constant 1 : i32
      scf.for %scan3A_234 = %scan3A_229 to %scan3A_231 step %scan3A_232  : i32 {
        %mul3A_235 = arith.constant 80 : i32
        %mul3A_236 = arith.muli %scan3A_234, %mul3A_235 : i32
        %add3A_237 = vector.broadcast %mul3A_236 : i32 to vector<16xi32>
        %add3A_238 = arith.addi %add3A_237, %mul3A_6 : vector<16xi32>
        %gather3A = tpu.vector_load_idx %arg16[%add3A_238] : memref<5120xi32, #tpu.memory_space<vmem>>[vector<16xi32>], vector<16xi32>,
        %gather3A_239 = tpu.vector_load_idx %arg14[%gather3A] : memref<24576xf32, #tpu.memory_space<vmem>>[vector<16xi32>], vector<16xf32>,
        %abs3A = math.absf %gather3A_239 : vector<16xf32>
        %bitcast3A = vector.bitcast %gather3A_239 : vector<16xf32> to vector<16xi32>
        %add3A_240 = arith.constant 1 : i32
        %add3A_241 = arith.addi %mul3A_236, %add3A_240 : i32
        %add3A_242 = vector.broadcast %add3A_241 : i32 to vector<16xi32>
        %add3A_243 = arith.addi %add3A_242, %mul3A_6 : vector<16xi32>
        %gather3A_244 = tpu.vector_load_idx %arg16[%add3A_243] : memref<5120xi32, #tpu.memory_space<vmem>>[vector<16xi32>], vector<16xi32>,
        %gather3A_245 = tpu.vector_load_idx %arg14[%gather3A_244] : memref<24576xf32, #tpu.memory_space<vmem>>[vector<16xi32>], vector<16xf32>,
        %abs3A_246 = math.absf %gather3A_245 : vector<16xf32>
        %min3A = arith.minimumf %abs3A, %abs3A_246 : vector<16xf32>
        %bitcast3A_247 = vector.bitcast %gather3A_245 : vector<16xf32> to vector<16xi32>
        %xor3A = arith.xori %bitcast3A, %bitcast3A_247 : vector<16xi32>
        %add3A_248 = arith.constant 2 : i32
        %add3A_249 = arith.addi %mul3A_236, %add3A_248 : i32
        %add3A_250 = vector.broadcast %add3A_249 : i32 to vector<16xi32>
        %add3A_251 = arith.addi %add3A_250, %mul3A_6 : vector<16xi32>
        %gather3A_252 = tpu.vector_load_idx %arg16[%add3A_251] : memref<5120xi32, #tpu.memory_space<vmem>>[vector<16xi32>], vector<16xi32>,
        %gather3A_253 = tpu.vector_load_idx %arg14[%gather3A_252] : memref<24576xf32, #tpu.memory_space<vmem>>[vector<16xi32>], vector<16xf32>,
        %abs3A_254 = math.absf %gather3A_253 : vector<16xf32>
        %min3A_255 = arith.minimumf %min3A, %abs3A_254 : vector<16xf32>
        %bitcast3A_256 = vector.bitcast %gather3A_253 : vector<16xf32> to vector<16xi32>
        %xor3A_257 = arith.xori %xor3A, %bitcast3A_256 : vector<16xi32>
        %add3A_258 = arith.constant 3 : i32
        %add3A_259 = arith.addi %mul3A_236, %add3A_258 : i32
        %add3A_260 = vector.broadcast %add3A_259 : i32 to vector<16xi32>
        %add3A_261 = arith.addi %add3A_260, %mul3A_6 : vector<16xi32>
        %gather3A_262 = tpu.vector_load_idx %arg16[%add3A_261] : memref<5120xi32, #tpu.memory_space<vmem>>[vector<16xi32>], vector<16xi32>,
        %gather3A_263 = tpu.vector_load_idx %arg14[%gather3A_262] : memref<24576xf32, #tpu.memory_space<vmem>>[vector<16xi32>], vector<16xf32>,
        %abs3A_264 = math.absf %gather3A_263 : vector<16xf32>
        %min3A_265 = arith.minimumf %min3A_255, %abs3A_264 : vector<16xf32>
        %bitcast3A_266 = vector.bitcast %gather3A_263 : vector<16xf32> to vector<16xi32>
        %xor3A_267 = arith.xori %xor3A_257, %bitcast3A_266 : vector<16xi32>
        %add3A_268 = arith.constant 4 : i32
        %add3A_269 = arith.addi %mul3A_236, %add3A_268 : i32
        %add3A_270 = vector.broadcast %add3A_269 : i32 to vector<16xi32>
        %add3A_271 = arith.addi %add3A_270, %mul3A_6 : vector<16xi32>
        %gather3A_272 = tpu.vector_load_idx %arg16[%add3A_271] : memref<5120xi32, #tpu.memory_space<vmem>>[vector<16xi32>], vector<16xi32>,
        %gather3A_273 = tpu.vector_load_idx %arg14[%gather3A_272] : memref<24576xf32, #tpu.memory_space<vmem>>[vector<16xi32>], vector<16xf32>,
        %abs3A_274 = math.absf %gather3A_273 : vector<16xf32>
        %min3A_275 = arith.minimumf %min3A_265, %abs3A_274 : vector<16xf32>
        %bitcast3A_276 = vector.bitcast %gather3A_273 : vector<16xf32> to vector<16xi32>
        %xor3A_277 = arith.xori %xor3A_267, %bitcast3A_276 : vector<16xi32>
        %bitcast3A_278 = vector.bitcast %min3A_275 : vector<16xf32> to vector<16xi32>
        %and3A = vector.broadcast %scan3A_73 : i32 to vector<16xi32>
        %and3A_279 = arith.andi %xor3A_277, %and3A : vector<16xi32>
        %or3A = arith.ori %bitcast3A_278, %and3A_279 : vector<16xi32>
        %bitcast3A_280 = vector.bitcast %or3A : vector<16xi32> to vector<16xf32>
        %mul3A_281 = arith.constant 1024 : i32
        %mul3A_282 = arith.muli %add3A_214, %mul3A_281 : i32
        %mul3A_283 = arith.constant 16 : i32
        %mul3A_284 = arith.muli %scan3A_234, %mul3A_283 : i32
        %add3A_285 = arith.addi %mul3A_282, %mul3A_284 : i32
        %swap3A = arith.index_cast %add3A_285 : i32 to index
        %swap3A_286 = tpu.vector_load %arg11[%swap3A] {strides = array<i32>} : memref<24576xf32, #tpu.memory_space<vmem>>, vector<16xf32>,
        tpu.vector_store %arg11[%swap3A], %bitcast3A_280 {strides = array<i32>} : memref<24576xf32, #tpu.memory_space<vmem>>, vector<16xf32>,
      }
      %scan3A_233 = arith.constant 64 : i32
    }
    %scan3A_78 = arith.constant 12 : i32
    %dma_start3A_79 = arith.constant 0 : i32
    %dma_start3A_80 = tpu.memref_slice %arg8[%add3A_8, %dma_start3A_79] : memref<64x24576xf32, #tpu.memory_space<hbm>> -> memref<1x24576xf32, #tpu.memory_space<hbm>>
    %dma_start3A_81 = tpu.memref_squeeze %dma_start3A_80 : memref<1x24576xf32, #tpu.memory_space<hbm>> -> memref<24576xf32, #tpu.memory_space<hbm>>
    %dma_start3A_82 = arith.constant 0 : i32
    %dma_start3A_83 = tpu.memref_slice %arg8[%add3A_8, %dma_start3A_82] : memref<64x24576xf32, #tpu.memory_space<hbm>> -> memref<1x24576xf32, #tpu.memory_space<hbm>>
    %dma_start3A_84 = tpu.memref_squeeze %dma_start3A_83 : memref<1x24576xf32, #tpu.memory_space<hbm>> -> memref<24576xf32, #tpu.memory_space<hbm>>
    tpu.enqueue_dma source(%arg11 : memref<24576xf32, #tpu.memory_space<vmem>>) target(%dma_start3A_84 : memref<24576xf32, #tpu.memory_space<hbm>>) target_semaphore(%arg17 : memref<!tpu.dma_semaphore, #tpu.memory_space<semaphore_mem>>)
    %scan3A_85 = arith.constant 0 : i32
    %scan3A_86 = arith.constant 0 : i32
    %scan3A_87 = arith.constant 512 : i32
    %scan3A_88 = arith.addi %scan3A_86, %scan3A_87 : i32
    %scan3A_89 = arith.constant 1 : i32
    scf.for %scan3A_190 = %scan3A_86 to %scan3A_88 step %scan3A_89  : i32 {
      %mul3A_191 = arith.constant 16 : i32
      %mul3A_192 = arith.muli %scan3A_190, %mul3A_191 : i32
      %mul3A_193 = arith.constant 48 : i32
      %mul3A_194 = arith.muli %scan3A_190, %mul3A_193 : i32
      %get3A = arith.index_cast %mul3A_192 : i32 to index
      %get3A_195 = tpu.vector_load %arg12[%get3A] {strides = array<i32>} : memref<8192xf32, #tpu.memory_space<vmem>>, vector<16xf32>,
      %add3A_196 = arith.constant 0 : i32
      %add3A_197 = arith.addi %mul3A_194, %add3A_196 : i32
      %add3A_198 = vector.broadcast %add3A_197 : i32 to vector<16xi32>
      %add3A_199 = arith.addi %add3A_198, %mul3A_3 : vector<16xi32>
      %gather3A = tpu.vector_load_idx %arg9[%add3A_199] : memref<24576xi32, #tpu.memory_space<vmem>>[vector<16xi32>], vector<16xi32>,
      %gather3A_200 = tpu.vector_load_idx %arg11[%gather3A] : memref<24576xf32, #tpu.memory_space<vmem>>[vector<16xi32>], vector<16xf32>,
      %add3A_201 = arith.addf %get3A_195, %gather3A_200 : vector<16xf32>
      %add3A_202 = arith.constant 1 : i32
      %add3A_203 = arith.addi %mul3A_194, %add3A_202 : i32
      %add3A_204 = vector.broadcast %add3A_203 : i32 to vector<16xi32>
      %add3A_205 = arith.addi %add3A_204, %mul3A_3 : vector<16xi32>
      %gather3A_206 = tpu.vector_load_idx %arg9[%add3A_205] : memref<24576xi32, #tpu.memory_space<vmem>>[vector<16xi32>], vector<16xi32>,
      %gather3A_207 = tpu.vector_load_idx %arg11[%gather3A_206] : memref<24576xf32, #tpu.memory_space<vmem>>[vector<16xi32>], vector<16xf32>,
      %add3A_208 = arith.addf %add3A_201, %gather3A_207 : vector<16xf32>
      %add3A_209 = arith.constant 2 : i32
      %add3A_210 = arith.addi %mul3A_194, %add3A_209 : i32
      %add3A_211 = vector.broadcast %add3A_210 : i32 to vector<16xi32>
      %add3A_212 = arith.addi %add3A_211, %mul3A_3 : vector<16xi32>
      %gather3A_213 = tpu.vector_load_idx %arg9[%add3A_212] : memref<24576xi32, #tpu.memory_space<vmem>>[vector<16xi32>], vector<16xi32>,
      %gather3A_214 = tpu.vector_load_idx %arg11[%gather3A_213] : memref<24576xf32, #tpu.memory_space<vmem>>[vector<16xi32>], vector<16xf32>,
      %add3A_215 = arith.addf %add3A_208, %gather3A_214 : vector<16xf32>
      %swap3A = arith.index_cast %mul3A_192 : i32 to index
      %swap3A_216 = tpu.vector_load %arg13[%swap3A] {strides = array<i32>} : memref<8192xf32, #tpu.memory_space<vmem>>, vector<16xf32>,
      tpu.vector_store %arg13[%swap3A], %add3A_215 {strides = array<i32>} : memref<8192xf32, #tpu.memory_space<vmem>>, vector<16xf32>,
    }
    %scan3A_90 = arith.constant 512 : i32
    %dma_wait3A_91 = arith.constant 0 : i32
    %dma_wait3A_92 = tpu.memref_slice %arg8[%add3A_8, %dma_wait3A_91] : memref<64x24576xf32, #tpu.memory_space<hbm>> -> memref<1x24576xf32, #tpu.memory_space<hbm>>
    %dma_wait3A_93 = tpu.memref_squeeze %dma_wait3A_92 : memref<1x24576xf32, #tpu.memory_space<hbm>> -> memref<24576xf32, #tpu.memory_space<hbm>>
    %dma_wait3A_94 = arith.constant 0 : i32
    %dma_wait3A_95 = tpu.memref_slice %arg8[%add3A_8, %dma_wait3A_94] : memref<64x24576xf32, #tpu.memory_space<hbm>> -> memref<1x24576xf32, #tpu.memory_space<hbm>>
    %dma_wait3A_96 = tpu.memref_squeeze %dma_wait3A_95 : memref<1x24576xf32, #tpu.memory_space<hbm>> -> memref<24576xf32, #tpu.memory_space<hbm>>
    tpu.wait_dma2 semaphore(%arg17 : memref<!tpu.dma_semaphore, #tpu.memory_space<semaphore_mem>>) src(%arg11 : memref<24576xf32, #tpu.memory_space<vmem>>) dst(%dma_wait3A_96 : memref<24576xf32, #tpu.memory_space<hbm>>)
    "tpu.region"() ({
      %run_scoped3A = tpu.sem_alloc : memref<!tpu.dma_semaphore, #tpu.memory_space<semaphore_mem>>
      %dma_start3A_190 = arith.constant 0 : i32
      %dma_start3A_191 = tpu.memref_slice %arg7[%add3A_8, %dma_start3A_190] : memref<64x8192xf32, #tpu.memory_space<hbm>> -> memref<1x8192xf32, #tpu.memory_space<hbm>>
      %dma_start3A_192 = tpu.memref_squeeze %dma_start3A_191 : memref<1x8192xf32, #tpu.memory_space<hbm>> -> memref<8192xf32, #tpu.memory_space<hbm>>
      %dma_start3A_193 = arith.constant 0 : i32
      %dma_start3A_194 = tpu.memref_slice %arg7[%add3A_8, %dma_start3A_193] : memref<64x8192xf32, #tpu.memory_space<hbm>> -> memref<1x8192xf32, #tpu.memory_space<hbm>>
      %dma_start3A_195 = tpu.memref_squeeze %dma_start3A_194 : memref<1x8192xf32, #tpu.memory_space<hbm>> -> memref<8192xf32, #tpu.memory_space<hbm>>
      tpu.enqueue_dma source(%arg13 : memref<8192xf32, #tpu.memory_space<vmem>>) target(%dma_start3A_195 : memref<8192xf32, #tpu.memory_space<hbm>>) target_semaphore(%run_scoped3A : memref<!tpu.dma_semaphore, #tpu.memory_space<semaphore_mem>>)
      %dma_wait3A_196 = arith.constant 0 : i32
      %dma_wait3A_197 = tpu.memref_slice %arg7[%add3A_8, %dma_wait3A_196] : memref<64x8192xf32, #tpu.memory_space<hbm>> -> memref<1x8192xf32, #tpu.memory_space<hbm>>
      %dma_wait3A_198 = tpu.memref_squeeze %dma_wait3A_197 : memref<1x8192xf32, #tpu.memory_space<hbm>> -> memref<8192xf32, #tpu.memory_space<hbm>>
      %dma_wait3A_199 = arith.constant 0 : i32
      %dma_wait3A_200 = tpu.memref_slice %arg7[%add3A_8, %dma_wait3A_199] : memref<64x8192xf32, #tpu.memory_space<hbm>> -> memref<1x8192xf32, #tpu.memory_space<hbm>>
      %dma_wait3A_201 = tpu.memref_squeeze %dma_wait3A_200 : memref<1x8192xf32, #tpu.memory_space<hbm>> -> memref<8192xf32, #tpu.memory_space<hbm>>
      tpu.wait_dma2 semaphore(%run_scoped3A : memref<!tpu.dma_semaphore, #tpu.memory_space<semaphore_mem>>) src(%arg13 : memref<8192xf32, #tpu.memory_space<vmem>>) dst(%dma_wait3A_201 : memref<8192xf32, #tpu.memory_space<hbm>>)
      tpu.yield
    }) : () -> ()
    %add3A_97 = arith.constant 32 : i32
    %add3A_98 = arith.addi %add3A, %add3A_97 : i32
    %dma_start3A_99 = arith.constant 0 : i32
    %dma_start3A_100 = tpu.memref_slice %arg4[%add3A_98, %dma_start3A_99] : memref<64x24576xi32, #tpu.memory_space<hbm>> -> memref<1x24576xi32, #tpu.memory_space<hbm>>
    %dma_start3A_101 = tpu.memref_squeeze %dma_start3A_100 : memref<1x24576xi32, #tpu.memory_space<hbm>> -> memref<24576xi32, #tpu.memory_space<hbm>>
    %dma_start3A_102 = arith.constant 0 : i32
    %dma_start3A_103 = tpu.memref_slice %arg4[%add3A_98, %dma_start3A_102] : memref<64x24576xi32, #tpu.memory_space<hbm>> -> memref<1x24576xi32, #tpu.memory_space<hbm>>
    %dma_start3A_104 = tpu.memref_squeeze %dma_start3A_103 : memref<1x24576xi32, #tpu.memory_space<hbm>> -> memref<24576xi32, #tpu.memory_space<hbm>>
    tpu.enqueue_dma source(%dma_start3A_104 : memref<24576xi32, #tpu.memory_space<hbm>>) target(%arg9 : memref<24576xi32, #tpu.memory_space<vmem>>) target_semaphore(%arg17 : memref<!tpu.dma_semaphore, #tpu.memory_space<semaphore_mem>>)
    %dma_start3A_105 = arith.constant 0 : i32
    %dma_start3A_106 = tpu.memref_slice %arg3[%add3A_98, %dma_start3A_105] : memref<64x24576xf32, #tpu.memory_space<hbm>> -> memref<1x24576xf32, #tpu.memory_space<hbm>>
    %dma_start3A_107 = tpu.memref_squeeze %dma_start3A_106 : memref<1x24576xf32, #tpu.memory_space<hbm>> -> memref<24576xf32, #tpu.memory_space<hbm>>
    %dma_start3A_108 = arith.constant 0 : i32
    %dma_start3A_109 = tpu.memref_slice %arg3[%add3A_98, %dma_start3A_108] : memref<64x24576xf32, #tpu.memory_space<hbm>> -> memref<1x24576xf32, #tpu.memory_space<hbm>>
    %dma_start3A_110 = tpu.memref_squeeze %dma_start3A_109 : memref<1x24576xf32, #tpu.memory_space<hbm>> -> memref<24576xf32, #tpu.memory_space<hbm>>
    tpu.enqueue_dma source(%dma_start3A_110 : memref<24576xf32, #tpu.memory_space<hbm>>) target(%arg11 : memref<24576xf32, #tpu.memory_space<vmem>>) target_semaphore(%arg17 : memref<!tpu.dma_semaphore, #tpu.memory_space<semaphore_mem>>)
    %dma_start3A_111 = arith.constant 0 : i32
    %dma_start3A_112 = tpu.memref_slice %arg2[%add3A_98, %dma_start3A_111] : memref<64x8192xf32, #tpu.memory_space<hbm>> -> memref<1x8192xf32, #tpu.memory_space<hbm>>
    %dma_start3A_113 = tpu.memref_squeeze %dma_start3A_112 : memref<1x8192xf32, #tpu.memory_space<hbm>> -> memref<8192xf32, #tpu.memory_space<hbm>>
    %dma_start3A_114 = arith.constant 0 : i32
    %dma_start3A_115 = tpu.memref_slice %arg2[%add3A_98, %dma_start3A_114] : memref<64x8192xf32, #tpu.memory_space<hbm>> -> memref<1x8192xf32, #tpu.memory_space<hbm>>
    %dma_start3A_116 = tpu.memref_squeeze %dma_start3A_115 : memref<1x8192xf32, #tpu.memory_space<hbm>> -> memref<8192xf32, #tpu.memory_space<hbm>>
    tpu.enqueue_dma source(%dma_start3A_116 : memref<8192xf32, #tpu.memory_space<hbm>>) target(%arg12 : memref<8192xf32, #tpu.memory_space<vmem>>) target_semaphore(%arg17 : memref<!tpu.dma_semaphore, #tpu.memory_space<semaphore_mem>>)
    %dma_start3A_117 = arith.constant 0 : i32
    %dma_start3A_118 = tpu.memref_slice %arg5[%add3A_98, %dma_start3A_117] : memref<64x24576xi32, #tpu.memory_space<hbm>> -> memref<1x24576xi32, #tpu.memory_space<hbm>>
    %dma_start3A_119 = tpu.memref_squeeze %dma_start3A_118 : memref<1x24576xi32, #tpu.memory_space<hbm>> -> memref<24576xi32, #tpu.memory_space<hbm>>
    %dma_start3A_120 = arith.constant 0 : i32
    %dma_start3A_121 = tpu.memref_slice %arg5[%add3A_98, %dma_start3A_120] : memref<64x24576xi32, #tpu.memory_space<hbm>> -> memref<1x24576xi32, #tpu.memory_space<hbm>>
    %dma_start3A_122 = tpu.memref_squeeze %dma_start3A_121 : memref<1x24576xi32, #tpu.memory_space<hbm>> -> memref<24576xi32, #tpu.memory_space<hbm>>
    tpu.enqueue_dma source(%dma_start3A_122 : memref<24576xi32, #tpu.memory_space<hbm>>) target(%arg10 : memref<24576xi32, #tpu.memory_space<vmem>>) target_semaphore(%arg17 : memref<!tpu.dma_semaphore, #tpu.memory_space<semaphore_mem>>)
    %dma_start3A_123 = arith.constant 0 : i32
    %dma_start3A_124 = tpu.memref_slice %arg6[%add3A_98, %dma_start3A_123] : memref<64x122880xi32, #tpu.memory_space<hbm>> -> memref<1x5120xi32, #tpu.memory_space<hbm>>
    %dma_start3A_125 = tpu.memref_squeeze %dma_start3A_124 : memref<1x5120xi32, #tpu.memory_space<hbm>> -> memref<5120xi32, #tpu.memory_space<hbm>>
    %dma_start3A_126 = arith.constant 0 : i32
    %dma_start3A_127 = tpu.memref_slice %arg6[%add3A_98, %dma_start3A_126] : memref<64x122880xi32, #tpu.memory_space<hbm>> -> memref<1x5120xi32, #tpu.memory_space<hbm>>
    %dma_start3A_128 = tpu.memref_squeeze %dma_start3A_127 : memref<1x5120xi32, #tpu.memory_space<hbm>> -> memref<5120xi32, #tpu.memory_space<hbm>>
    tpu.enqueue_dma source(%dma_start3A_128 : memref<5120xi32, #tpu.memory_space<hbm>>) target(%arg15 : memref<5120xi32, #tpu.memory_space<vmem>>) target_semaphore(%arg18 : memref<!tpu.dma_semaphore, #tpu.memory_space<semaphore_mem>>)
    %dma_wait3A_129 = arith.constant 0 : i32
    %dma_wait3A_130 = tpu.memref_slice %arg4[%add3A_98, %dma_wait3A_129] : memref<64x24576xi32, #tpu.memory_space<hbm>> -> memref<1x24576xi32, #tpu.memory_space<hbm>>
    %dma_wait3A_131 = tpu.memref_squeeze %dma_wait3A_130 : memref<1x24576xi32, #tpu.memory_space<hbm>> -> memref<24576xi32, #tpu.memory_space<hbm>>
    %dma_wait3A_132 = arith.constant 0 : i32
    %dma_wait3A_133 = tpu.memref_slice %arg4[%add3A_98, %dma_wait3A_132] : memref<64x24576xi32, #tpu.memory_space<hbm>> -> memref<1x24576xi32, #tpu.memory_space<hbm>>
    %dma_wait3A_134 = tpu.memref_squeeze %dma_wait3A_133 : memref<1x24576xi32, #tpu.memory_space<hbm>> -> memref<24576xi32, #tpu.memory_space<hbm>>
    tpu.wait_dma2 semaphore(%arg17 : memref<!tpu.dma_semaphore, #tpu.memory_space<semaphore_mem>>) src(%dma_wait3A_134 : memref<24576xi32, #tpu.memory_space<hbm>>) dst(%arg9 : memref<24576xi32, #tpu.memory_space<vmem>>)
    %dma_wait3A_135 = arith.constant 0 : i32
    %dma_wait3A_136 = tpu.memref_slice %arg3[%add3A_98, %dma_wait3A_135] : memref<64x24576xf32, #tpu.memory_space<hbm>> -> memref<1x24576xf32, #tpu.memory_space<hbm>>
    %dma_wait3A_137 = tpu.memref_squeeze %dma_wait3A_136 : memref<1x24576xf32, #tpu.memory_space<hbm>> -> memref<24576xf32, #tpu.memory_space<hbm>>
    %dma_wait3A_138 = arith.constant 0 : i32
    %dma_wait3A_139 = tpu.memref_slice %arg3[%add3A_98, %dma_wait3A_138] : memref<64x24576xf32, #tpu.memory_space<hbm>> -> memref<1x24576xf32, #tpu.memory_space<hbm>>
    %dma_wait3A_140 = tpu.memref_squeeze %dma_wait3A_139 : memref<1x24576xf32, #tpu.memory_space<hbm>> -> memref<24576xf32, #tpu.memory_space<hbm>>
    tpu.wait_dma2 semaphore(%arg17 : memref<!tpu.dma_semaphore, #tpu.memory_space<semaphore_mem>>) src(%dma_wait3A_140 : memref<24576xf32, #tpu.memory_space<hbm>>) dst(%arg11 : memref<24576xf32, #tpu.memory_space<vmem>>)
    %dma_wait3A_141 = arith.constant 0 : i32
    %dma_wait3A_142 = tpu.memref_slice %arg2[%add3A_98, %dma_wait3A_141] : memref<64x8192xf32, #tpu.memory_space<hbm>> -> memref<1x8192xf32, #tpu.memory_space<hbm>>
    %dma_wait3A_143 = tpu.memref_squeeze %dma_wait3A_142 : memref<1x8192xf32, #tpu.memory_space<hbm>> -> memref<8192xf32, #tpu.memory_space<hbm>>
    %dma_wait3A_144 = arith.constant 0 : i32
    %dma_wait3A_145 = tpu.memref_slice %arg2[%add3A_98, %dma_wait3A_144] : memref<64x8192xf32, #tpu.memory_space<hbm>> -> memref<1x8192xf32, #tpu.memory_space<hbm>>
    %dma_wait3A_146 = tpu.memref_squeeze %dma_wait3A_145 : memref<1x8192xf32, #tpu.memory_space<hbm>> -> memref<8192xf32, #tpu.memory_space<hbm>>
    tpu.wait_dma2 semaphore(%arg17 : memref<!tpu.dma_semaphore, #tpu.memory_space<semaphore_mem>>) src(%dma_wait3A_146 : memref<8192xf32, #tpu.memory_space<hbm>>) dst(%arg12 : memref<8192xf32, #tpu.memory_space<vmem>>)
    %scan3A_147 = arith.constant 0 : i32
    %scan3A_148 = arith.constant 0 : i32
    %scan3A_149 = arith.constant 512 : i32
    %scan3A_150 = arith.addi %scan3A_148, %scan3A_149 : i32
    %scan3A_151 = arith.constant 1 : i32
    scf.for %scan3A_190 = %scan3A_148 to %scan3A_150 step %scan3A_151  : i32 {
      %mul3A_191 = arith.constant 16 : i32
      %mul3A_192 = arith.muli %scan3A_190, %mul3A_191 : i32
      %mul3A_193 = arith.constant 48 : i32
      %mul3A_194 = arith.muli %scan3A_190, %mul3A_193 : i32
      %get3A = arith.index_cast %mul3A_192 : i32 to index
      %get3A_195 = tpu.vector_load %arg12[%get3A] {strides = array<i32>} : memref<8192xf32, #tpu.memory_space<vmem>>, vector<16xf32>,
      %add3A_196 = arith.constant 0 : i32
      %add3A_197 = arith.addi %mul3A_194, %add3A_196 : i32
      %add3A_198 = vector.broadcast %add3A_197 : i32 to vector<16xi32>
      %add3A_199 = arith.addi %add3A_198, %mul3A_3 : vector<16xi32>
      %gather3A = tpu.vector_load_idx %arg9[%add3A_199] : memref<24576xi32, #tpu.memory_space<vmem>>[vector<16xi32>], vector<16xi32>,
      %gather3A_200 = tpu.vector_load_idx %arg11[%gather3A] : memref<24576xf32, #tpu.memory_space<vmem>>[vector<16xi32>], vector<16xf32>,
      %add3A_201 = arith.addf %get3A_195, %gather3A_200 : vector<16xf32>
      %add3A_202 = arith.constant 1 : i32
      %add3A_203 = arith.addi %mul3A_194, %add3A_202 : i32
      %add3A_204 = vector.broadcast %add3A_203 : i32 to vector<16xi32>
      %add3A_205 = arith.addi %add3A_204, %mul3A_3 : vector<16xi32>
      %gather3A_206 = tpu.vector_load_idx %arg9[%add3A_205] : memref<24576xi32, #tpu.memory_space<vmem>>[vector<16xi32>], vector<16xi32>,
      %gather3A_207 = tpu.vector_load_idx %arg11[%gather3A_206] : memref<24576xf32, #tpu.memory_space<vmem>>[vector<16xi32>], vector<16xf32>,
      %add3A_208 = arith.addf %add3A_201, %gather3A_207 : vector<16xf32>
      %add3A_209 = arith.constant 2 : i32
      %add3A_210 = arith.addi %mul3A_194, %add3A_209 : i32
      %add3A_211 = vector.broadcast %add3A_210 : i32 to vector<16xi32>
      %add3A_212 = arith.addi %add3A_211, %mul3A_3 : vector<16xi32>
      %gather3A_213 = tpu.vector_load_idx %arg9[%add3A_212] : memref<24576xi32, #tpu.memory_space<vmem>>[vector<16xi32>], vector<16xi32>,
      %gather3A_214 = tpu.vector_load_idx %arg11[%gather3A_213] : memref<24576xf32, #tpu.memory_space<vmem>>[vector<16xi32>], vector<16xf32>,
      %add3A_215 = arith.addf %add3A_208, %gather3A_214 : vector<16xf32>
      %swap3A = arith.index_cast %mul3A_192 : i32 to index
      %swap3A_216 = tpu.vector_load %arg13[%swap3A] {strides = array<i32>} : memref<8192xf32, #tpu.memory_space<vmem>>, vector<16xf32>,
      tpu.vector_store %arg13[%swap3A], %add3A_215 {strides = array<i32>} : memref<8192xf32, #tpu.memory_space<vmem>>, vector<16xf32>,
    }
    %scan3A_152 = arith.constant 512 : i32
    %dma_wait3A_153 = arith.constant 0 : i32
    %dma_wait3A_154 = tpu.memref_slice %arg5[%add3A_98, %dma_wait3A_153] : memref<64x24576xi32, #tpu.memory_space<hbm>> -> memref<1x24576xi32, #tpu.memory_space<hbm>>
    %dma_wait3A_155 = tpu.memref_squeeze %dma_wait3A_154 : memref<1x24576xi32, #tpu.memory_space<hbm>> -> memref<24576xi32, #tpu.memory_space<hbm>>
    %dma_wait3A_156 = arith.constant 0 : i32
    %dma_wait3A_157 = tpu.memref_slice %arg5[%add3A_98, %dma_wait3A_156] : memref<64x24576xi32, #tpu.memory_space<hbm>> -> memref<1x24576xi32, #tpu.memory_space<hbm>>
    %dma_wait3A_158 = tpu.memref_squeeze %dma_wait3A_157 : memref<1x24576xi32, #tpu.memory_space<hbm>> -> memref<24576xi32, #tpu.memory_space<hbm>>
    tpu.wait_dma2 semaphore(%arg17 : memref<!tpu.dma_semaphore, #tpu.memory_space<semaphore_mem>>) src(%dma_wait3A_158 : memref<24576xi32, #tpu.memory_space<hbm>>) dst(%arg10 : memref<24576xi32, #tpu.memory_space<vmem>>)
    %scan3A_159 = arith.constant 0 : i32
    %scan3A_160 = arith.constant 0 : i32
    %scan3A_161 = arith.constant 1536 : i32
    %scan3A_162 = arith.addi %scan3A_160, %scan3A_161 : i32
    %scan3A_163 = arith.constant 1 : i32
    scf.for %scan3A_190 = %scan3A_160 to %scan3A_162 step %scan3A_163  : i32 {
      %mul3A_191 = arith.constant 16 : i32
      %mul3A_192 = arith.muli %scan3A_190, %mul3A_191 : i32
      %get3A = arith.index_cast %mul3A_192 : i32 to index
      %get3A_193 = tpu.vector_load %arg10[%get3A] {strides = array<i32>} : memref<24576xi32, #tpu.memory_space<vmem>>, vector<16xi32>,
      %gather3A = tpu.vector_load_idx %arg13[%get3A_193] : memref<8192xf32, #tpu.memory_space<vmem>>[vector<16xi32>], vector<16xf32>,
      %get3A_194 = arith.index_cast %mul3A_192 : i32 to index
      %get3A_195 = tpu.vector_load %arg11[%get3A_194] {strides = array<i32>} : memref<24576xf32, #tpu.memory_space<vmem>>, vector<16xf32>,
      %sub3A = arith.subf %gather3A, %get3A_195 : vector<16xf32>
      %swap3A = arith.index_cast %mul3A_192 : i32 to index
      %swap3A_196 = tpu.vector_load %arg14[%swap3A] {strides = array<i32>} : memref<24576xf32, #tpu.memory_space<vmem>>, vector<16xf32>,
      tpu.vector_store %arg14[%swap3A], %sub3A {strides = array<i32>} : memref<24576xf32, #tpu.memory_space<vmem>>, vector<16xf32>,
    }
    %scan3A_164 = arith.constant 1536 : i32
    %scan3A_165 = arith.constant 0 : i32
    %scan3A_166 = arith.constant -2147483648 : i32
    %scan3A_167 = arith.constant 0 : i32
    %scan3A_168 = arith.constant 12 : i32
    %scan3A_169 = arith.addi %scan3A_167, %scan3A_168 : i32
    %scan3A_170 = arith.constant 1 : i32
    scf.for %scan3A_190 = %scan3A_167 to %scan3A_169 step %scan3A_170  : i32 {
      %mul3A_191 = arith.constant 2 : i32
      %mul3A_192 = arith.muli %scan3A_190, %mul3A_191 : i32
      %add3A_193 = arith.constant 0 : i32
      %add3A_194 = arith.addi %mul3A_192, %add3A_193 : i32
      %mul3A_195 = arith.constant 5120 : i32
      %mul3A_196 = arith.muli %add3A_194, %mul3A_195 : i32
      %dma_wait3A_197 = tpu.memref_slice %arg6[%add3A_98, %mul3A_196] : memref<64x122880xi32, #tpu.memory_space<hbm>> -> memref<1x5120xi32, #tpu.memory_space<hbm>>
      %dma_wait3A_198 = tpu.memref_squeeze %dma_wait3A_197 : memref<1x5120xi32, #tpu.memory_space<hbm>> -> memref<5120xi32, #tpu.memory_space<hbm>>
      %dma_wait3A_199 = tpu.memref_slice %arg6[%add3A_98, %mul3A_196] : memref<64x122880xi32, #tpu.memory_space<hbm>> -> memref<1x5120xi32, #tpu.memory_space<hbm>>
      %dma_wait3A_200 = tpu.memref_squeeze %dma_wait3A_199 : memref<1x5120xi32, #tpu.memory_space<hbm>> -> memref<5120xi32, #tpu.memory_space<hbm>>
      tpu.wait_dma2 semaphore(%arg18 : memref<!tpu.dma_semaphore, #tpu.memory_space<semaphore_mem>>) src(%dma_wait3A_200 : memref<5120xi32, #tpu.memory_space<hbm>>) dst(%arg15 : memref<5120xi32, #tpu.memory_space<vmem>>)
      %add3A_201 = arith.constant 1 : i32
      %add3A_202 = arith.addi %add3A_194, %add3A_201 : i32
      %lt3A = arith.constant 24 : i32
      %lt3A_203 = arith.cmpi slt, %add3A_202, %lt3A : i32
      %convert_element_type3A = arith.extui %lt3A_203 : i1 to i32
      %cond3A = arith.constant 0 : i32
      %cond3A_204 = arith.cmpi ne, %convert_element_type3A, %cond3A : i32
      scf.if %cond3A_204 {
        %add3A_234 = arith.constant 1 : i32
        %add3A_235 = arith.addi %add3A_194, %add3A_234 : i32
        %mul3A_236 = arith.constant 5120 : i32
        %mul3A_237 = arith.muli %add3A_235, %mul3A_236 : i32
        %dma_start3A_238 = tpu.memref_slice %arg6[%add3A_98, %mul3A_237] : memref<64x122880xi32, #tpu.memory_space<hbm>> -> memref<1x5120xi32, #tpu.memory_space<hbm>>
        %dma_start3A_239 = tpu.memref_squeeze %dma_start3A_238 : memref<1x5120xi32, #tpu.memory_space<hbm>> -> memref<5120xi32, #tpu.memory_space<hbm>>
        %dma_start3A_240 = tpu.memref_slice %arg6[%add3A_98, %mul3A_237] : memref<64x122880xi32, #tpu.memory_space<hbm>> -> memref<1x5120xi32, #tpu.memory_space<hbm>>
        %dma_start3A_241 = tpu.memref_squeeze %dma_start3A_240 : memref<1x5120xi32, #tpu.memory_space<hbm>> -> memref<5120xi32, #tpu.memory_space<hbm>>
        tpu.enqueue_dma source(%dma_start3A_241 : memref<5120xi32, #tpu.memory_space<hbm>>) target(%arg16 : memref<5120xi32, #tpu.memory_space<vmem>>) target_semaphore(%arg19 : memref<!tpu.dma_semaphore, #tpu.memory_space<semaphore_mem>>)
      } else {
      }
      %scan3A_205 = arith.constant 0 : i32
      %scan3A_206 = arith.constant 0 : i32
      %scan3A_207 = arith.constant 64 : i32
      %scan3A_208 = arith.addi %scan3A_206, %scan3A_207 : i32
      %scan3A_209 = arith.constant 1 : i32
      scf.for %scan3A_234 = %scan3A_206 to %scan3A_208 step %scan3A_209  : i32 {
        %mul3A_235 = arith.constant 80 : i32
        %mul3A_236 = arith.muli %scan3A_234, %mul3A_235 : i32
        %add3A_237 = vector.broadcast %mul3A_236 : i32 to vector<16xi32>
        %add3A_238 = arith.addi %add3A_237, %mul3A_6 : vector<16xi32>
        %gather3A = tpu.vector_load_idx %arg15[%add3A_238] : memref<5120xi32, #tpu.memory_space<vmem>>[vector<16xi32>], vector<16xi32>,
        %gather3A_239 = tpu.vector_load_idx %arg14[%gather3A] : memref<24576xf32, #tpu.memory_space<vmem>>[vector<16xi32>], vector<16xf32>,
        %abs3A = math.absf %gather3A_239 : vector<16xf32>
        %bitcast3A = vector.bitcast %gather3A_239 : vector<16xf32> to vector<16xi32>
        %add3A_240 = arith.constant 1 : i32
        %add3A_241 = arith.addi %mul3A_236, %add3A_240 : i32
        %add3A_242 = vector.broadcast %add3A_241 : i32 to vector<16xi32>
        %add3A_243 = arith.addi %add3A_242, %mul3A_6 : vector<16xi32>
        %gather3A_244 = tpu.vector_load_idx %arg15[%add3A_243] : memref<5120xi32, #tpu.memory_space<vmem>>[vector<16xi32>], vector<16xi32>,
        %gather3A_245 = tpu.vector_load_idx %arg14[%gather3A_244] : memref<24576xf32, #tpu.memory_space<vmem>>[vector<16xi32>], vector<16xf32>,
        %abs3A_246 = math.absf %gather3A_245 : vector<16xf32>
        %min3A = arith.minimumf %abs3A, %abs3A_246 : vector<16xf32>
        %bitcast3A_247 = vector.bitcast %gather3A_245 : vector<16xf32> to vector<16xi32>
        %xor3A = arith.xori %bitcast3A, %bitcast3A_247 : vector<16xi32>
        %add3A_248 = arith.constant 2 : i32
        %add3A_249 = arith.addi %mul3A_236, %add3A_248 : i32
        %add3A_250 = vector.broadcast %add3A_249 : i32 to vector<16xi32>
        %add3A_251 = arith.addi %add3A_250, %mul3A_6 : vector<16xi32>
        %gather3A_252 = tpu.vector_load_idx %arg15[%add3A_251] : memref<5120xi32, #tpu.memory_space<vmem>>[vector<16xi32>], vector<16xi32>,
        %gather3A_253 = tpu.vector_load_idx %arg14[%gather3A_252] : memref<24576xf32, #tpu.memory_space<vmem>>[vector<16xi32>], vector<16xf32>,
        %abs3A_254 = math.absf %gather3A_253 : vector<16xf32>
        %min3A_255 = arith.minimumf %min3A, %abs3A_254 : vector<16xf32>
        %bitcast3A_256 = vector.bitcast %gather3A_253 : vector<16xf32> to vector<16xi32>
        %xor3A_257 = arith.xori %xor3A, %bitcast3A_256 : vector<16xi32>
        %add3A_258 = arith.constant 3 : i32
        %add3A_259 = arith.addi %mul3A_236, %add3A_258 : i32
        %add3A_260 = vector.broadcast %add3A_259 : i32 to vector<16xi32>
        %add3A_261 = arith.addi %add3A_260, %mul3A_6 : vector<16xi32>
        %gather3A_262 = tpu.vector_load_idx %arg15[%add3A_261] : memref<5120xi32, #tpu.memory_space<vmem>>[vector<16xi32>], vector<16xi32>,
        %gather3A_263 = tpu.vector_load_idx %arg14[%gather3A_262] : memref<24576xf32, #tpu.memory_space<vmem>>[vector<16xi32>], vector<16xf32>,
        %abs3A_264 = math.absf %gather3A_263 : vector<16xf32>
        %min3A_265 = arith.minimumf %min3A_255, %abs3A_264 : vector<16xf32>
        %bitcast3A_266 = vector.bitcast %gather3A_263 : vector<16xf32> to vector<16xi32>
        %xor3A_267 = arith.xori %xor3A_257, %bitcast3A_266 : vector<16xi32>
        %add3A_268 = arith.constant 4 : i32
        %add3A_269 = arith.addi %mul3A_236, %add3A_268 : i32
        %add3A_270 = vector.broadcast %add3A_269 : i32 to vector<16xi32>
        %add3A_271 = arith.addi %add3A_270, %mul3A_6 : vector<16xi32>
        %gather3A_272 = tpu.vector_load_idx %arg15[%add3A_271] : memref<5120xi32, #tpu.memory_space<vmem>>[vector<16xi32>], vector<16xi32>,
        %gather3A_273 = tpu.vector_load_idx %arg14[%gather3A_272] : memref<24576xf32, #tpu.memory_space<vmem>>[vector<16xi32>], vector<16xf32>,
        %abs3A_274 = math.absf %gather3A_273 : vector<16xf32>
        %min3A_275 = arith.minimumf %min3A_265, %abs3A_274 : vector<16xf32>
        %bitcast3A_276 = vector.bitcast %gather3A_273 : vector<16xf32> to vector<16xi32>
        %xor3A_277 = arith.xori %xor3A_267, %bitcast3A_276 : vector<16xi32>
        %bitcast3A_278 = vector.bitcast %min3A_275 : vector<16xf32> to vector<16xi32>
        %and3A = vector.broadcast %scan3A_166 : i32 to vector<16xi32>
        %and3A_279 = arith.andi %xor3A_277, %and3A : vector<16xi32>
        %or3A = arith.ori %bitcast3A_278, %and3A_279 : vector<16xi32>
        %bitcast3A_280 = vector.bitcast %or3A : vector<16xi32> to vector<16xf32>
        %mul3A_281 = arith.constant 1024 : i32
        %mul3A_282 = arith.muli %add3A_194, %mul3A_281 : i32
        %mul3A_283 = arith.constant 16 : i32
        %mul3A_284 = arith.muli %scan3A_234, %mul3A_283 : i32
        %add3A_285 = arith.addi %mul3A_282, %mul3A_284 : i32
        %swap3A = arith.index_cast %add3A_285 : i32 to index
        %swap3A_286 = tpu.vector_load %arg11[%swap3A] {strides = array<i32>} : memref<24576xf32, #tpu.memory_space<vmem>>, vector<16xf32>,
        tpu.vector_store %arg11[%swap3A], %bitcast3A_280 {strides = array<i32>} : memref<24576xf32, #tpu.memory_space<vmem>>, vector<16xf32>,
      }
      %scan3A_210 = arith.constant 64 : i32
      %mul3A_211 = arith.constant 2 : i32
      %mul3A_212 = arith.muli %scan3A_190, %mul3A_211 : i32
      %add3A_213 = arith.constant 1 : i32
      %add3A_214 = arith.addi %mul3A_212, %add3A_213 : i32
      %mul3A_215 = arith.constant 5120 : i32
      %mul3A_216 = arith.muli %add3A_214, %mul3A_215 : i32
      %dma_wait3A_217 = tpu.memref_slice %arg6[%add3A_98, %mul3A_216] : memref<64x122880xi32, #tpu.memory_space<hbm>> -> memref<1x5120xi32, #tpu.memory_space<hbm>>
      %dma_wait3A_218 = tpu.memref_squeeze %dma_wait3A_217 : memref<1x5120xi32, #tpu.memory_space<hbm>> -> memref<5120xi32, #tpu.memory_space<hbm>>
      %dma_wait3A_219 = tpu.memref_slice %arg6[%add3A_98, %mul3A_216] : memref<64x122880xi32, #tpu.memory_space<hbm>> -> memref<1x5120xi32, #tpu.memory_space<hbm>>
      %dma_wait3A_220 = tpu.memref_squeeze %dma_wait3A_219 : memref<1x5120xi32, #tpu.memory_space<hbm>> -> memref<5120xi32, #tpu.memory_space<hbm>>
      tpu.wait_dma2 semaphore(%arg19 : memref<!tpu.dma_semaphore, #tpu.memory_space<semaphore_mem>>) src(%dma_wait3A_220 : memref<5120xi32, #tpu.memory_space<hbm>>) dst(%arg16 : memref<5120xi32, #tpu.memory_space<vmem>>)
      %add3A_221 = arith.constant 1 : i32
      %add3A_222 = arith.addi %add3A_214, %add3A_221 : i32
      %lt3A_223 = arith.constant 24 : i32
      %lt3A_224 = arith.cmpi slt, %add3A_222, %lt3A_223 : i32
      %convert_element_type3A_225 = arith.extui %lt3A_224 : i1 to i32
      %cond3A_226 = arith.constant 0 : i32
      %cond3A_227 = arith.cmpi ne, %convert_element_type3A_225, %cond3A_226 : i32
      scf.if %cond3A_227 {
        %add3A_234 = arith.constant 1 : i32
        %add3A_235 = arith.addi %add3A_214, %add3A_234 : i32
        %mul3A_236 = arith.constant 5120 : i32
        %mul3A_237 = arith.muli %add3A_235, %mul3A_236 : i32
        %dma_start3A_238 = tpu.memref_slice %arg6[%add3A_98, %mul3A_237] : memref<64x122880xi32, #tpu.memory_space<hbm>> -> memref<1x5120xi32, #tpu.memory_space<hbm>>
        %dma_start3A_239 = tpu.memref_squeeze %dma_start3A_238 : memref<1x5120xi32, #tpu.memory_space<hbm>> -> memref<5120xi32, #tpu.memory_space<hbm>>
        %dma_start3A_240 = tpu.memref_slice %arg6[%add3A_98, %mul3A_237] : memref<64x122880xi32, #tpu.memory_space<hbm>> -> memref<1x5120xi32, #tpu.memory_space<hbm>>
        %dma_start3A_241 = tpu.memref_squeeze %dma_start3A_240 : memref<1x5120xi32, #tpu.memory_space<hbm>> -> memref<5120xi32, #tpu.memory_space<hbm>>
        tpu.enqueue_dma source(%dma_start3A_241 : memref<5120xi32, #tpu.memory_space<hbm>>) target(%arg15 : memref<5120xi32, #tpu.memory_space<vmem>>) target_semaphore(%arg18 : memref<!tpu.dma_semaphore, #tpu.memory_space<semaphore_mem>>)
      } else {
      }
      %scan3A_228 = arith.constant 0 : i32
      %scan3A_229 = arith.constant 0 : i32
      %scan3A_230 = arith.constant 64 : i32
      %scan3A_231 = arith.addi %scan3A_229, %scan3A_230 : i32
      %scan3A_232 = arith.constant 1 : i32
      scf.for %scan3A_234 = %scan3A_229 to %scan3A_231 step %scan3A_232  : i32 {
        %mul3A_235 = arith.constant 80 : i32
        %mul3A_236 = arith.muli %scan3A_234, %mul3A_235 : i32
        %add3A_237 = vector.broadcast %mul3A_236 : i32 to vector<16xi32>
        %add3A_238 = arith.addi %add3A_237, %mul3A_6 : vector<16xi32>
        %gather3A = tpu.vector_load_idx %arg16[%add3A_238] : memref<5120xi32, #tpu.memory_space<vmem>>[vector<16xi32>], vector<16xi32>,
        %gather3A_239 = tpu.vector_load_idx %arg14[%gather3A] : memref<24576xf32, #tpu.memory_space<vmem>>[vector<16xi32>], vector<16xf32>,
        %abs3A = math.absf %gather3A_239 : vector<16xf32>
        %bitcast3A = vector.bitcast %gather3A_239 : vector<16xf32> to vector<16xi32>
        %add3A_240 = arith.constant 1 : i32
        %add3A_241 = arith.addi %mul3A_236, %add3A_240 : i32
        %add3A_242 = vector.broadcast %add3A_241 : i32 to vector<16xi32>
        %add3A_243 = arith.addi %add3A_242, %mul3A_6 : vector<16xi32>
        %gather3A_244 = tpu.vector_load_idx %arg16[%add3A_243] : memref<5120xi32, #tpu.memory_space<vmem>>[vector<16xi32>], vector<16xi32>,
        %gather3A_245 = tpu.vector_load_idx %arg14[%gather3A_244] : memref<24576xf32, #tpu.memory_space<vmem>>[vector<16xi32>], vector<16xf32>,
        %abs3A_246 = math.absf %gather3A_245 : vector<16xf32>
        %min3A = arith.minimumf %abs3A, %abs3A_246 : vector<16xf32>
        %bitcast3A_247 = vector.bitcast %gather3A_245 : vector<16xf32> to vector<16xi32>
        %xor3A = arith.xori %bitcast3A, %bitcast3A_247 : vector<16xi32>
        %add3A_248 = arith.constant 2 : i32
        %add3A_249 = arith.addi %mul3A_236, %add3A_248 : i32
        %add3A_250 = vector.broadcast %add3A_249 : i32 to vector<16xi32>
        %add3A_251 = arith.addi %add3A_250, %mul3A_6 : vector<16xi32>
        %gather3A_252 = tpu.vector_load_idx %arg16[%add3A_251] : memref<5120xi32, #tpu.memory_space<vmem>>[vector<16xi32>], vector<16xi32>,
        %gather3A_253 = tpu.vector_load_idx %arg14[%gather3A_252] : memref<24576xf32, #tpu.memory_space<vmem>>[vector<16xi32>], vector<16xf32>,
        %abs3A_254 = math.absf %gather3A_253 : vector<16xf32>
        %min3A_255 = arith.minimumf %min3A, %abs3A_254 : vector<16xf32>
        %bitcast3A_256 = vector.bitcast %gather3A_253 : vector<16xf32> to vector<16xi32>
        %xor3A_257 = arith.xori %xor3A, %bitcast3A_256 : vector<16xi32>
        %add3A_258 = arith.constant 3 : i32
        %add3A_259 = arith.addi %mul3A_236, %add3A_258 : i32
        %add3A_260 = vector.broadcast %add3A_259 : i32 to vector<16xi32>
        %add3A_261 = arith.addi %add3A_260, %mul3A_6 : vector<16xi32>
        %gather3A_262 = tpu.vector_load_idx %arg16[%add3A_261] : memref<5120xi32, #tpu.memory_space<vmem>>[vector<16xi32>], vector<16xi32>,
        %gather3A_263 = tpu.vector_load_idx %arg14[%gather3A_262] : memref<24576xf32, #tpu.memory_space<vmem>>[vector<16xi32>], vector<16xf32>,
        %abs3A_264 = math.absf %gather3A_263 : vector<16xf32>
        %min3A_265 = arith.minimumf %min3A_255, %abs3A_264 : vector<16xf32>
        %bitcast3A_266 = vector.bitcast %gather3A_263 : vector<16xf32> to vector<16xi32>
        %xor3A_267 = arith.xori %xor3A_257, %bitcast3A_266 : vector<16xi32>
        %add3A_268 = arith.constant 4 : i32
        %add3A_269 = arith.addi %mul3A_236, %add3A_268 : i32
        %add3A_270 = vector.broadcast %add3A_269 : i32 to vector<16xi32>
        %add3A_271 = arith.addi %add3A_270, %mul3A_6 : vector<16xi32>
        %gather3A_272 = tpu.vector_load_idx %arg16[%add3A_271] : memref<5120xi32, #tpu.memory_space<vmem>>[vector<16xi32>], vector<16xi32>,
        %gather3A_273 = tpu.vector_load_idx %arg14[%gather3A_272] : memref<24576xf32, #tpu.memory_space<vmem>>[vector<16xi32>], vector<16xf32>,
        %abs3A_274 = math.absf %gather3A_273 : vector<16xf32>
        %min3A_275 = arith.minimumf %min3A_265, %abs3A_274 : vector<16xf32>
        %bitcast3A_276 = vector.bitcast %gather3A_273 : vector<16xf32> to vector<16xi32>
        %xor3A_277 = arith.xori %xor3A_267, %bitcast3A_276 : vector<16xi32>
        %bitcast3A_278 = vector.bitcast %min3A_275 : vector<16xf32> to vector<16xi32>
        %and3A = vector.broadcast %scan3A_166 : i32 to vector<16xi32>
        %and3A_279 = arith.andi %xor3A_277, %and3A : vector<16xi32>
        %or3A = arith.ori %bitcast3A_278, %and3A_279 : vector<16xi32>
        %bitcast3A_280 = vector.bitcast %or3A : vector<16xi32> to vector<16xf32>
        %mul3A_281 = arith.constant 1024 : i32
        %mul3A_282 = arith.muli %add3A_214, %mul3A_281 : i32
        %mul3A_283 = arith.constant 16 : i32
        %mul3A_284 = arith.muli %scan3A_234, %mul3A_283 : i32
        %add3A_285 = arith.addi %mul3A_282, %mul3A_284 : i32
        %swap3A = arith.index_cast %add3A_285 : i32 to index
        %swap3A_286 = tpu.vector_load %arg11[%swap3A] {strides = array<i32>} : memref<24576xf32, #tpu.memory_space<vmem>>, vector<16xf32>,
        tpu.vector_store %arg11[%swap3A], %bitcast3A_280 {strides = array<i32>} : memref<24576xf32, #tpu.memory_space<vmem>>, vector<16xf32>,
      }
      %scan3A_233 = arith.constant 64 : i32
    }
    %scan3A_171 = arith.constant 12 : i32
    %dma_start3A_172 = arith.constant 0 : i32
    %dma_start3A_173 = tpu.memref_slice %arg8[%add3A_98, %dma_start3A_172] : memref<64x24576xf32, #tpu.memory_space<hbm>> -> memref<1x24576xf32, #tpu.memory_space<hbm>>
    %dma_start3A_174 = tpu.memref_squeeze %dma_start3A_173 : memref<1x24576xf32, #tpu.memory_space<hbm>> -> memref<24576xf32, #tpu.memory_space<hbm>>
    %dma_start3A_175 = arith.constant 0 : i32
    %dma_start3A_176 = tpu.memref_slice %arg8[%add3A_98, %dma_start3A_175] : memref<64x24576xf32, #tpu.memory_space<hbm>> -> memref<1x24576xf32, #tpu.memory_space<hbm>>
    %dma_start3A_177 = tpu.memref_squeeze %dma_start3A_176 : memref<1x24576xf32, #tpu.memory_space<hbm>> -> memref<24576xf32, #tpu.memory_space<hbm>>
    tpu.enqueue_dma source(%arg11 : memref<24576xf32, #tpu.memory_space<vmem>>) target(%dma_start3A_177 : memref<24576xf32, #tpu.memory_space<hbm>>) target_semaphore(%arg17 : memref<!tpu.dma_semaphore, #tpu.memory_space<semaphore_mem>>)
    %scan3A_178 = arith.constant 0 : i32
    %scan3A_179 = arith.constant 0 : i32
    %scan3A_180 = arith.constant 512 : i32
    %scan3A_181 = arith.addi %scan3A_179, %scan3A_180 : i32
    %scan3A_182 = arith.constant 1 : i32
    scf.for %scan3A_190 = %scan3A_179 to %scan3A_181 step %scan3A_182  : i32 {
      %mul3A_191 = arith.constant 16 : i32
      %mul3A_192 = arith.muli %scan3A_190, %mul3A_191 : i32
      %mul3A_193 = arith.constant 48 : i32
      %mul3A_194 = arith.muli %scan3A_190, %mul3A_193 : i32
      %get3A = arith.index_cast %mul3A_192 : i32 to index
      %get3A_195 = tpu.vector_load %arg12[%get3A] {strides = array<i32>} : memref<8192xf32, #tpu.memory_space<vmem>>, vector<16xf32>,
      %add3A_196 = arith.constant 0 : i32
      %add3A_197 = arith.addi %mul3A_194, %add3A_196 : i32
      %add3A_198 = vector.broadcast %add3A_197 : i32 to vector<16xi32>
      %add3A_199 = arith.addi %add3A_198, %mul3A_3 : vector<16xi32>
      %gather3A = tpu.vector_load_idx %arg9[%add3A_199] : memref<24576xi32, #tpu.memory_space<vmem>>[vector<16xi32>], vector<16xi32>,
      %gather3A_200 = tpu.vector_load_idx %arg11[%gather3A] : memref<24576xf32, #tpu.memory_space<vmem>>[vector<16xi32>], vector<16xf32>,
      %add3A_201 = arith.addf %get3A_195, %gather3A_200 : vector<16xf32>
      %add3A_202 = arith.constant 1 : i32
      %add3A_203 = arith.addi %mul3A_194, %add3A_202 : i32
      %add3A_204 = vector.broadcast %add3A_203 : i32 to vector<16xi32>
      %add3A_205 = arith.addi %add3A_204, %mul3A_3 : vector<16xi32>
      %gather3A_206 = tpu.vector_load_idx %arg9[%add3A_205] : memref<24576xi32, #tpu.memory_space<vmem>>[vector<16xi32>], vector<16xi32>,
      %gather3A_207 = tpu.vector_load_idx %arg11[%gather3A_206] : memref<24576xf32, #tpu.memory_space<vmem>>[vector<16xi32>], vector<16xf32>,
      %add3A_208 = arith.addf %add3A_201, %gather3A_207 : vector<16xf32>
      %add3A_209 = arith.constant 2 : i32
      %add3A_210 = arith.addi %mul3A_194, %add3A_209 : i32
      %add3A_211 = vector.broadcast %add3A_210 : i32 to vector<16xi32>
      %add3A_212 = arith.addi %add3A_211, %mul3A_3 : vector<16xi32>
      %gather3A_213 = tpu.vector_load_idx %arg9[%add3A_212] : memref<24576xi32, #tpu.memory_space<vmem>>[vector<16xi32>], vector<16xi32>,
      %gather3A_214 = tpu.vector_load_idx %arg11[%gather3A_213] : memref<24576xf32, #tpu.memory_space<vmem>>[vector<16xi32>], vector<16xf32>,
      %add3A_215 = arith.addf %add3A_208, %gather3A_214 : vector<16xf32>
      %swap3A = arith.index_cast %mul3A_192 : i32 to index
      %swap3A_216 = tpu.vector_load %arg13[%swap3A] {strides = array<i32>} : memref<8192xf32, #tpu.memory_space<vmem>>, vector<16xf32>,
      tpu.vector_store %arg13[%swap3A], %add3A_215 {strides = array<i32>} : memref<8192xf32, #tpu.memory_space<vmem>>, vector<16xf32>,
    }
    %scan3A_183 = arith.constant 512 : i32
    %dma_wait3A_184 = arith.constant 0 : i32
    %dma_wait3A_185 = tpu.memref_slice %arg8[%add3A_98, %dma_wait3A_184] : memref<64x24576xf32, #tpu.memory_space<hbm>> -> memref<1x24576xf32, #tpu.memory_space<hbm>>
    %dma_wait3A_186 = tpu.memref_squeeze %dma_wait3A_185 : memref<1x24576xf32, #tpu.memory_space<hbm>> -> memref<24576xf32, #tpu.memory_space<hbm>>
    %dma_wait3A_187 = arith.constant 0 : i32
    %dma_wait3A_188 = tpu.memref_slice %arg8[%add3A_98, %dma_wait3A_187] : memref<64x24576xf32, #tpu.memory_space<hbm>> -> memref<1x24576xf32, #tpu.memory_space<hbm>>
    %dma_wait3A_189 = tpu.memref_squeeze %dma_wait3A_188 : memref<1x24576xf32, #tpu.memory_space<hbm>> -> memref<24576xf32, #tpu.memory_space<hbm>>
    tpu.wait_dma2 semaphore(%arg17 : memref<!tpu.dma_semaphore, #tpu.memory_space<semaphore_mem>>) src(%arg11 : memref<24576xf32, #tpu.memory_space<vmem>>) dst(%dma_wait3A_189 : memref<24576xf32, #tpu.memory_space<hbm>>)
    "tpu.region"() ({
      %run_scoped3A = tpu.sem_alloc : memref<!tpu.dma_semaphore, #tpu.memory_space<semaphore_mem>>
      %dma_start3A_190 = arith.constant 0 : i32
      %dma_start3A_191 = tpu.memref_slice %arg7[%add3A_98, %dma_start3A_190] : memref<64x8192xf32, #tpu.memory_space<hbm>> -> memref<1x8192xf32, #tpu.memory_space<hbm>>
      %dma_start3A_192 = tpu.memref_squeeze %dma_start3A_191 : memref<1x8192xf32, #tpu.memory_space<hbm>> -> memref<8192xf32, #tpu.memory_space<hbm>>
      %dma_start3A_193 = arith.constant 0 : i32
      %dma_start3A_194 = tpu.memref_slice %arg7[%add3A_98, %dma_start3A_193] : memref<64x8192xf32, #tpu.memory_space<hbm>> -> memref<1x8192xf32, #tpu.memory_space<hbm>>
      %dma_start3A_195 = tpu.memref_squeeze %dma_start3A_194 : memref<1x8192xf32, #tpu.memory_space<hbm>> -> memref<8192xf32, #tpu.memory_space<hbm>>
      tpu.enqueue_dma source(%arg13 : memref<8192xf32, #tpu.memory_space<vmem>>) target(%dma_start3A_195 : memref<8192xf32, #tpu.memory_space<hbm>>) target_semaphore(%run_scoped3A : memref<!tpu.dma_semaphore, #tpu.memory_space<semaphore_mem>>)
      %dma_wait3A_196 = arith.constant 0 : i32
      %dma_wait3A_197 = tpu.memref_slice %arg7[%add3A_98, %dma_wait3A_196] : memref<64x8192xf32, #tpu.memory_space<hbm>> -> memref<1x8192xf32, #tpu.memory_space<hbm>>
      %dma_wait3A_198 = tpu.memref_squeeze %dma_wait3A_197 : memref<1x8192xf32, #tpu.memory_space<hbm>> -> memref<8192xf32, #tpu.memory_space<hbm>>
      %dma_wait3A_199 = arith.constant 0 : i32
      %dma_wait3A_200 = tpu.memref_slice %arg7[%add3A_98, %dma_wait3A_199] : memref<64x8192xf32, #tpu.memory_space<hbm>> -> memref<1x8192xf32, #tpu.memory_space<hbm>>
      %dma_wait3A_201 = tpu.memref_squeeze %dma_wait3A_200 : memref<1x8192xf32, #tpu.memory_space<hbm>> -> memref<8192xf32, #tpu.memory_space<hbm>>
      tpu.wait_dma2 semaphore(%run_scoped3A : memref<!tpu.dma_semaphore, #tpu.memory_space<semaphore_mem>>) src(%arg13 : memref<8192xf32, #tpu.memory_space<vmem>>) dst(%dma_wait3A_201 : memref<8192xf32, #tpu.memory_space<hbm>>)
      tpu.yield
    }) : () -> ()
    return
  }
}

</mosaic_0001>

<sc_bundles>
// kernel: _mslayer.3.cloned.1.call-start
scs
__scs_entry_jumppad:
0x0: {  	(pc) =	sbr.rel $0x88, $3  }
0x1: {  	(tag) =	ssettag $0x0;
	lr =	simm.s32 $0x1  }
0x2: {  	[smem:$0x3F9C] =	sst lr;
	_ =	strace $0xD0000000  }
0x3: {  	_ = 	snop  }
0x4: {  	_ = 	snop  }
0x5: {  	_ = 	snop  }
0x6: {  	_ = 	snop  }
0x7: {  	_ = 	snop  }
__scs_overlays_trampoline_lowered:
0x8: {  	[smem:$0x3FAB] =	sst s0  }
0x9: {  	[smem:$0x3FAC] =	sst s1  }
0xa: {  	[smem:$0x3FAD] =	sst s2  }
0xb: {  	[smem:$0x3FAE] =	sst s3  }
0xc: {  	[smem:$0x3FAF] =	sst s4  }
0xd: {  	[smem:$0x3FB0] =	sst s5  }
0xe: {  	[smem:$0x3FB1] =	sst s6  }
0xf: {  	[smem:$0x3FB2] =	sst s7  }
0x10: {  	[smem:$0x3FB3] =	sst s8  }
0x11: {  	[smem:$0x3FB4] =	sst s9;
	s0 =	simm.s32 @!p0 $0x0  }
0x12: {  	s1 =	sld [smem:$0x3F9A];
	s0 =	simm.s32 @p0 $0x1  }
0x13: {  	[smem:$0x3FB5] =	sst s0;
	s0 =	simm.s32 @!p1 $0x0  }
0x14: {  	s2 =	sld [smem:$0x3F99];
	s0 =	simm.s32 @p1 $0x1  }
0x15: {  	[smem:$0x3FB6] =	sst s0;
	s0 =	simm.s32 @!p2 $0x0  }
0x16: {  	s3 =	sld [smem:$0x3FDB];
	s0 =	simm.s32 @p2 $0x1  }
0x17: {  	s4 =	simm.s32 $0x1BF5;
	[smem:$0x3FB8] =	sst s0  }
0x18: {  	s0 =	sld [smem:$0x3F9B];
	_ =	swait.ge [sflag:s4], $0x0  }
0x19: {  	s7 =	sld [smem:$0x3F9C]  }
0x1a: {  	s8 =	sadd.s32 $0xFFFFE003, lr  }
0x1b: {  	s9 =	sadd.s32 $0xFFFFFEF7, lr;
	s5 =	simm.s32 $0xFFFFFFFF;
	p2 =	slt.u32 s8, $0xFFFFF086  }
0x1c: {  	p1 =	slt.u32 s9, $0xF7A;
	s5 =	simm.s32 @!p2 $0x0  }
0x1d: {  	s5 =	simm.s32 @p1 $0x1;
	p0 =	seq.s32 s7, s2  }
0x1e: {  	s7 =	smul.u32 @!p0 $0xF7A, s2;
	p2 =	seq.s32 @!p0 s5, $0x0  }
0x1f: {  	s9 =	smul.u32 $0xF7A, s1;
	s8 =	simm.s32 @!p0 $0x1BF5;
	p2 =	por !p2, p0  }
0x20: {  	[sflag:s8] =	ssyncset.s32 @!p0 $0xFFFFF086;
	s6 =	sadd.s32 @!p0 s3, s7;
	s7 =	simm.s32 @!p0 $0x108  }
0x21: {  	s3 =	sadd.s32 s3, s9;
	s6 =	sadd.s32 @!p0 $0x88, s6;
	s7 =	simm.s32 @p2 $0x1082  }
0x22: {  	[simem:s7], [sflag:s8] =	dma.local @!p0 [hbm:s6], $0xF7A  }
0x23: {  	s9 =	sor.u32 $0xD0000000, s2;
	s6 =	simm.s32 $0x108;
	_ =	swait.ge @!p0 [sflag:s8], $0x0  }
0x24: {  	s3 =	sadd.s32 $0x88, s3;
	s6 =	simm.s32 @!p1 $0x1082;
	[sflag:s4] =	ssyncset.s32 $0xFFFFF086  }
0x25: {  	[simem:s6], [sflag:s4] =	dma.local [hbm:s3], $0xF7A  }
0x26: {  	[smem:$0x3F9C] =	sst s1;
	(tag) =	ssettag s2;
	_ =	strace s9  }
0x27: {  	s1 =	sld [smem:$0x3FAC]  }
0x28: {  	s2 =	sld [smem:$0x3FAD]  }
0x29: {  	s4 =	sld [smem:$0x3FAF]  }
0x2a: {  	p0 =	seq.s32 s5, $0x0;
	s5 =	sld [smem:$0x3FB0]  }
0x2b: {  	s6 =	sld [smem:$0x3FB1]  }
0x2c: {  	s7 =	sld [smem:$0x3FB2]  }
0x2d: {  	s3 =	simm.s32 $0x108;
	s8 =	sld [smem:$0x3FB3]  }
0x2e: {  	s3 =	simm.s32 @!p0 $0x1082;
	s9 =	sld [smem:$0x3FB4]  }
0x2f: {  	lr =	sadd.s32 s0, s3;
	s0 =	sld [smem:$0x3FAB]  }
0x30: {  	s3 =	sld [smem:$0x3FAE]  }
0x31: {  	[smem:$0x3FB7] =	sst s10  }
0x32: {  	s10 =	sld [smem:$0x3FB5];
	_ =	sdelay $0x3  }
0x33: {  	p0 =	seq.s32 s10, $0x1;
	s10 =	sld [smem:$0x3FB7];
	_ =	sdelay $0x3  }
0x34: {  	[smem:$0x3FB7] =	sst s10  }
0x35: {  	s10 =	sld [smem:$0x3FB6];
	_ =	sdelay $0x3  }
0x36: {  	p1 =	seq.s32 s10, $0x1;
	s10 =	sld [smem:$0x3FB7];
	_ =	sdelay $0x3  }
0x37: {  	[smem:$0x3FB7] =	sst s10  }
0x38: {  	s10 =	sld [smem:$0x3FB8]  }
0x39: {  	_ = 	snop;
	(pc) =	sbr.ind lr, $3  }
0x3a: {  	_ = 	snop  }
0x3b: {  	_ = 	snop  }
0x3c: {  	p2 =	seq.s32 s10, $0x1;
	s10 =	sld [smem:$0x3FB7]  }
0x3d: {  	_ =	shalt  }
0x3e: {  	_ =	shalt  }
0x3f: {  	_ =	shalt  }
0x40: {  	_ =	shalt  }
0x41: {  	_ =	shalt  }
0x42: {  	_ =	shalt  }
0x43: {  	_ =	shalt  }
0x44: {  	_ =	shalt  }
0x45: {  	_ =	shalt  }
0x46: {  	_ =	shalt  }
0x47: {  	_ =	shalt  }
0x48: {  	_ =	shalt  }
0x49: {  	_ =	shalt  }
0x4a: {  	_ =	shalt  }
0x4b: {  	_ =	shalt  }
0x4c: {  	_ =	shalt  }
0x4d: {  	_ =	shalt  }
0x4e: {  	_ =	shalt  }
0x4f: {  	_ =	shalt  }
0x50: {  	_ =	shalt  }
0x51: {  	_ =	shalt  }
0x52: {  	_ =	shalt  }
0x53: {  	_ =	shalt  }
0x54: {  	_ =	shalt  }
0x55: {  	_ =	shalt  }
0x56: {  	_ =	shalt  }
0x57: {  	_ =	shalt  }
0x58: {  	_ =	shalt  }
0x59: {  	_ =	shalt  }
0x5a: {  	_ =	shalt  }
0x5b: {  	_ =	shalt  }
0x5c: {  	_ =	shalt  }
0x5d: {  	_ =	shalt  }
0x5e: {  	_ =	shalt  }
0x5f: {  	_ =	shalt  }
0x60: {  	_ =	shalt  }
0x61: {  	_ =	shalt  }
0x62: {  	_ =	shalt  }
0x63: {  	_ =	shalt  }
0x64: {  	_ =	shalt  }
0x65: {  	_ =	shalt  }
0x66: {  	_ =	shalt  }
0x67: {  	_ =	shalt  }
0x68: {  	_ =	shalt  }
0x69: {  	_ =	shalt  }
0x6a: {  	_ =	shalt  }
0x6b: {  	_ =	shalt  }
0x6c: {  	_ =	shalt  }
0x6d: {  	_ =	shalt  }
0x6e: {  	_ =	shalt  }
0x6f: {  	_ =	shalt  }
0x70: {  	_ =	shalt  }
0x71: {  	_ =	shalt  }
0x72: {  	_ =	shalt  }
0x73: {  	_ =	shalt  }
0x74: {  	_ =	shalt  }
0x75: {  	_ =	shalt  }
0x76: {  	_ =	shalt  }
0x77: {  	_ =	shalt  }
0x78: {  	_ =	shalt  }
0x79: {  	_ =	shalt  }
0x7a: {  	_ =	shalt  }
0x7b: {  	_ =	shalt  }
0x7c: {  	_ =	shalt  }
0x7d: {  	_ =	shalt  }
0x7e: {  	_ =	shalt  }
0x7f: {  	_ =	shalt  }
0x80: {  	_ =	shalt  }
0x81: {  	_ =	shalt  }
0x82: {  	_ =	shalt  }
0x83: {  	_ =	shalt  }
0x84: {  	_ =	shalt  }
0x85: {  	_ =	shalt  }
0x86: {  	_ =	shalt  }
0x87: {  	_ =	shalt  }
.Lfunc_end0:
.L_simem_size_0:
called_computation_lowered:
.L_overlay_start_0:
0x88: {  	s2 =	sld [smem:$0x3FD9]  }
0x89: {  	s3 =	sld [smem:$0x3FFE];
	_ =	sdelay $0x1  }
0x8a: {  	s1 =	srdreg.scid  }
0x8b: {  	s0 =	sand.u32 $0x1, s1  }
0x8c: {  	s15 =	sshll.u32 s0, $0xA;
	s2 =	sadd.s32 s3, s2  }
0x8d: {  	s2 =	sadd.s32 s2, s15  }
0x8e: {  	[smem:$0x3FC3] =	sst s2  }
0x8f: {  	_ = 	snop  }
0x90: {  	s2 =	sld [smem:$0x3FC9]  }
0x91: {  	s16 =	sld [smem:$0x3FC8]  }
0x92: {  	s4 =	sld [smem:$0x3FD0]  }
0x93: {  	s5 =	sld [smem:$0x3FC7]  }
0x94: {  	s6 =	sld [smem:$0x3FC6]  }
0x95: {  	s8 =	simm.s32 $0xA;
	s9 =	simm.s32 $0x10;
	s7 =	sld [smem:$0x3FC5]  }
0x96: {  	[smem:s9], [sflag:s8] =	dma.local [hbm:s4], $0x1  }
0x97: {  	_ =	swait.eq [sflag:s8], $0x1  }
0x98: {  	[sflag:s8] =	ssyncset.done $0x0  }
0x99: {  	s17 =	sld [smem:$0x10];
	[sflag:s8] =	ssyncadd.s32 $0xFFFFFFFF  }
0x9a: {  	s18 =	sld [smem:$0x11];
	(tm) =	ssettm $0x1  }
0x9b: {  	s19 =	sld [smem:$0x3FFB];
	_ =	sdelay $0x3  }
0x9c: {  	_ =	strace s19  }
0x9d: {  	s9 =	sld [smem:$0x3FFC];
	_ =	sdelay $0x3  }
0x9e: {  	_ =	strace s9  }
0x9f: {  	s9 =	sld [smem:$0x3FFD];
	_ =	sdelay $0x3  }
0xa0: {  	_ =	strace s9  }
0xa1: {  	_ =	strace $0x8FFFFFFF  }
0xa2: {  	s20 =	sld [smem:$0x3FDB];
	_ =	sdelay $0x1  }
0xa3: {  	s10 =	simm.s32 $_scs_section_size  }
0xa4: {  	s11 =	simm.s32 $_size__tile_overlayer_lowered;
	s12 =	simm.s32 $_tile_overlayer_lowered  }
0xa5: {  	s23 =	simm.s32 $0x1BFF;
	s22 =	sshll.u32 s12, $0x1;
	s9 =	sadd.s32 s10, s20  }
0xa6: {  	s13 =	simm.s32 $0x0;
	s21 =	sshll.u32 s11, $0x1;
	s11 =	sadd.s32 s22, s9  }
0xa7: {  	[timem:s13], [sflag:s23] =	dma.local [hbm:s11], s21  }
0xa8: {  	_ =	swait.ge [sflag:s23], s21  }
0xa9: {  	s10 =	ssub.s32 $0x0, s21;
	[sflag:s23] =	ssyncset.done $0x0  }
0xaa: {  	[sflag:s23] =	ssyncadd.s32 s10;
	_ =	sdelay $0x1  }
0xab: {  	s24 =	simm.s32 $0x1B8B  }
0xac: {  	_ =	swait.ge [sflag:s24], $0x1  }
0xad: {  	[sflag:s24] =	ssyncset.done $0x0  }
0xae: {  	s25 =	simm.s32 $0x1B8E;
	[sflag:s24] =	ssyncadd.s32 $0xFFFFFFFF  }
0xaf: {  	s26 =	simm.s32 $execute0_lowered;
	[smem:$0x3FD2] =	sst s25  }
0xb0: {  	s10 =	sshll.u32 s26, $0x1;
	_ =	strace $0x80000046;
	[dreg:$0x1] =	wrdreg $0xFFFFFFFF  }
0xb1: {  	s28 =	simm.s32 $_size_execute0_lowered;
	s9 =	sadd.s32 s9, s10;
	[dreg:$0x0] =	wrdreg $0x0  }
0xb2: {  	s10 =	sshll.u32 s28, $0x1;
	[dreg:$0x2] =	wrdreg s9  }
0xb3: {  	[dreg:$0x3] =	wrdreg s10  }
0xb4: {  	[dreg:$0x4] =	wrdreg $0xC0  }
0xb5: {  	_ =	task [dreg:s13], $0x5FFFF  }
0xb6: {  	[dreg:$0x1] =	wrdreg $0xFFFFFFFF  }
0xb7: {  	[dreg:$0x0] =	wrdreg $0x60  }
0xb8: {  	[dreg:$0x2] =	wrdreg s2  }
0xb9: {  	[dreg:$0x3] =	wrdreg s16  }
0xba: {  	[dreg:$0x4] =	wrdreg s5  }
0xbb: {  	[dreg:$0x5] =	wrdreg s6  }
0xbc: {  	[dreg:$0x6] =	wrdreg s7  }
0xbd: {  	[dreg:$0x7] =	wrdreg s17  }
0xbe: {  	[dreg:$0x8] =	wrdreg s18  }
0xbf: {  	[dreg:$0x9] =	wrdreg $0x9  }
0xc0: {  	_ =	task.clear_ibuf [dreg:s13], $0xAFFFF;
	_ =	strace $0x90000046  }
0xc1: {  	s29 =	simm.s32 $0x9;
	_ =	strace $0x80000048  }
0xc2: {  	_ =	swait.ge [sflag:s29], $0x1  }
0xc3: {  	[sflag:s29] =	ssyncadd.s32 $0xFFFFFFFF  }
0xc4: {  	_ =	strace $0x90000048  }
0xc5: {  	_ =	sfence  }
0xc6: {  	s30 =	sld [smem:$0x0];
	_ =	sdelay $0x2  }
0xc7: {  	s31 =	sshll.u32 s1, $0xD;
	s1 =	sshrl.u32 s1, $0x2  }
0xc8: {  	s3 =	sand.u32 $0x4000, s31;
	s1 =	sadd.s32 s1, s30  }
0xc9: {  	s0 =	sor.u32 s3, s0;
	s1 =	sshll.u32 s1, $0x11  }
0xca: {  	s0 =	sor.u32 s1, s0  }
0xcb: {  	s0 =	sadd.s32 $0x8F2B, s0  }
0xcc: {  	[sflag:s0] =	ssyncadd.remote.s32 $0x1  }
0xcd: {  	_ =	sfence.sel $0xFFFF  }
0xce: {  	[dreg:$0x0] =	wrdreg $0xFFFFFFFF;
	(pc) =	sbr.abs _section_cstart, $3  }
0xcf: {  	[dreg:$0x1] =	wrdreg $0xFFFFFFFF  }
0xd0: {  	_ =	task.clear_ibuf [dreg:s13], $0x2FFFF;
	_ =	strace $0x9FFFFFFF  }
0xd1: {  	(tm) =	ssettm $0x7FFFFFFF  }
tec
execute0_lowered:
.L_overlay_start_1:
0x0: {  	(tag) =	ssettag $0x1  }
0x1: {  	s0 =	rddreg [dreg:$0x0]  }
0x2: {  	s2 =	rddreg [dreg:$0x1]  }
0x3: {  	s4 =	rddreg [dreg:$0x2]  }
0x4: {  	s5 =	rddreg [dreg:$0x3]  }
0x5: {  	s1 =	rddreg [dreg:$0x4]  }
0x6: {  	s7 =	rddreg [dreg:$0x5]  }
0x7: {  	s8 =	rddreg [dreg:$0x6];
	s3 =	simm.s32 $0x0  }
0x8: {  	s6 =	srdreg.scid;
	s10 =	stileid.u32;
	s28 =	simm.s32 $0x1C000  }
0x9: {  	s29 =	simm.s32 $0x1;
	s30 =	simm.s32 $0x14000;
	s31 =	simm.s32 $0x2  }
0xa: {  	s6 =	sand.u32 $0x1, s6;
	s9 =	sshrl.u32 s10, $0x2;
	s10 =	sshll.u32 s10, $0x8  }
0xb: {  	[smem:$0x7FF] =	sst s3;
	s11 =	sshll.u32 s6, $0x7;
	s10 =	sand.u32 $0x300, s10  }
0xc: {  	s12 =	smul.u32 $0x30000, s9;
	s6 =	ssub.s32 $0x2, s6;
	_ =	strace $0x80000047  }
0xd: {  	s15 =	smul.u32 $0xF0000, s9;
	s18 =	sshll.u32 s9, $0x10;
	s9 =	sor.u32 $0x4, s9  }
0xe: {  	s11 =	sor.u32 s11, s10;
	s14 =	sshrl.u32 s6, $0x1;
	s22 =	sshll.u32 s9, $0x10  }
0xf: {  	s13 =	ssub.s32 s6, s14;
	s6 =	sor.u32 s15, s11;
	s15 =	smul.u32 $0x30000, s9  }
0x10: {  	s12 =	sor.u32 s12, s11;
	s10 =	sor.u32 s18, s11;
	s9 =	smul.u32 $0xF0000, s9  }
0x11: {  	s23 =	sor.u32 s11, s22;
	s12 =	sshrl.u32 s12, $0x3;
	s14 =	sshrl.u32 s10, $0x3  }
0x12: {  	s19 =	sshrl.u32 s6, $0x3;
	s24 =	sshrl.u32 s23, $0x3;
	s16 =	sadd.s32 s4, s12  }
0x13: {  	s22 =	smax.u32 s13, $0x1;
	s17 =	sadd.s32 s2, s12;
	[dreg:$0x8] =	wrdreg s16  }
0x14: {  	s23 =	simm.s32 $0x80;
	s20 =	sadd.s32 s5, s12;
	[dreg:$0x9] =	wrdreg s17  }
0x15: {  	s10 =	sadd.s32 s1, s19;
	s12 =	sadd.s32 s8, s12;
	[dreg:$0xb] =	wrdreg s20  }
0x16: {  	s21 =	sor.u32 s11, s15;
	s15 =	sor.u32 s11, s9;
	[dreg:$0xc] =	wrdreg s10  }
0x17: {  	s16 =	sadd.s32 s0, s14;
	s10 =	sadd.s32 $0x14000, s6;
	[dreg:$0xd] =	wrdreg s12  }
0x18: {  	s12 =	sshrl.u32 s21, $0x3;
	s14 =	sadd.s32 s7, s14;
	s0 =	sadd.s32 s0, s24  }
0x19: {  	s26 =	sshrl.u32 s15, $0x3;
	s19 =	sadd.s32 $0x14000, s15;
	[dreg:$0xa] =	wrdreg s16  }
0x1a: {  	s21 =	sadd.s32 s7, s24;
	s24 =	simm.s32 $0x400;
	[dreg:$0xe] =	wrdreg s14  }
0x1b: {  	s7 =	simm.s32 $0x0;
	s4 =	sadd.s32 s4, s12;
	[dreg:$0x11] =	wrdreg s0  }
0x1c: {  	s2 =	sadd.s32 s2, s12;
	s25 =	sadd.s32 s5, s12;
	[dreg:$0xf] =	wrdreg s4  }
0x1d: {  	v1 =	vlaneseq.u32;
	s18 =	sadd.s32 s1, s26;
	s20 =	sadd.s32 s8, s12;
	[dreg:$0x10] =	wrdreg s2  }
0x1e: {  	v0 =	vmul.u32 $0x3, v1;
	s0 =	simm.s32 $0x1D400;
	s5 =	simm.s32 $0x4;
	[dreg:$0x12] =	wrdreg s25  }
0x1f: {  	v1 =	vmul.u32 $0x5, v1;
	s25 =	simm.s32 $0xC000;
	s2 =	simm.s32 $0x16000;
	s4 =	simm.s32 $0x3  }
.LBB2_1:
0x20: {  	s8 =	rddreg [dreg:$0x8]  }
0x21: {  	[tilespmem:s3], [sflag:$0x1] =	stream.strided.gather [hbm4b:s8+s23], $0x6000, s24, s23, $0x38;
	[tilespmem:$0x1E800] =	vst v63  }
0x22: {  	s16 =	rddreg [dreg:$0x9]  }
0x23: {  	[tilespmem:s25], [sflag:$0x1] =	stream.strided.gather [hbm4b:s16+s23], $0x6000, s24, s23, $0x38;
	[tilespmem:$0x1E800] =	vst v63  }
0x24: {  	s17 =	simm.s32 $0x12000;
	s9 =	rddreg [dreg:$0xa]  }
0x25: {  	[tilespmem:s17], [sflag:$0x1] =	stream.strided.gather [hbm4b:s9+s23], $0x2000, s24, s23, $0x38;
	[tilespmem:$0x1E800] =	vst v63  }
0x26: {  	s26 =	rddreg [dreg:$0xb];
	s11 =	simm.s32 $0x6000  }
0x27: {  	[tilespmem:s11], [sflag:$0x1] =	stream.strided.gather [hbm4b:s26+s23], $0x6000, s24, s23, $0x38;
	[tilespmem:$0x1E800] =	vst v63  }
0x28: {  	s12 =	rddreg [dreg:$0xc]  }
0x29: {  	[tilespmem:s28], [sflag:$0x2] =	stream.strided.gather [hbm4b:s12+s23], $0x1400, s24, s23, $0x38;
	[tilespmem:$0x1E800] =	vst v63  }
0x2a: {  	_ =	swait.ge [sflag:s29], $0x6000  }
0x2b: {  	[sflag:s29] =	ssyncset.done $0x0  }
0x2c: {  	[sflag:s29] =	ssyncadd.s32 $0xFFFFA000  }
0x2d: {  	s13 =	simm.s32 $0x0;
	_ =	swait.ge [sflag:s29], $0x6000  }
0x2e: {  	v2 =	vadd.s32 s13, v0;
	[sflag:s29] =	ssyncset.done $0x0  }
0x2f: {  	s14 =	simm.s32 $0x1;
	[sflag:s29] =	ssyncadd.s32 $0xFFFFA000  }
0x30: {  	v3 =	vadd.s32 s14, v0;
	_ =	swait.ge [sflag:s29], $0x2000  }
0x31: {  	[sflag:s29] =	ssyncset.done $0x0  }
0x32: {  	v4 =	vadd.s32 s31, v0;
	[sflag:s29] =	ssyncadd.s32 $0xFFFFE000  }
0x33: {  	v2 =	vld.idx.msk [tilespmem:v2+s3+$0x0], $0xffff;
	_ =	sdelay $0x1  }
0x34: {  	v3 =	vld.idx.msk [tilespmem:v3+s3+$0x0], $0xffff;
	_ =	sdelay $0x1  }
0x35: {  	v4 =	vld.idx.msk [tilespmem:v4+s3+$0x0], $0xffff;
	_ =	sdelay $0x2  }
0x36: {  	v5 =	vld [tilespmem:s17+$0x0]  }
0x37: {  	v2 =	vld.idx.msk [tilespmem:v2+s25+$0x0], $0xffff;
	_ =	sdelay $0x1  }
0x38: {  	v3 =	vld.idx.msk [tilespmem:v3+s25+$0x0], $0xffff;
	_ =	sdelay $0x1  }
0x39: {  	v4 =	vld.idx.msk [tilespmem:v4+s25+$0x0], $0xffff  }
0x3a: {  	v2 =	vadd.f32 v2, v5;
	_ =	sdelay $0x1  }
0x3b: {  	v2 =	vadd.f32 v3, v2  }
0x3c: {  	s16 =	simm.s32 $0x30  }
0x3d: {  	v5 =	vadd.s32 s16, v0;
	v2 =	vadd.f32 v4, v2  }
0x3e: {  	s17 =	simm.s32 $0x31  }
0x3f: {  	[tilespmem:s30+$0x0] =	vst v2;
	v2 =	vadd.s32 s17, v0  }
0x40: {  	s26 =	simm.s32 $0x32  }
0x41: {  	v4 =	vadd.s32 s26, v0  }
0x42: {  	v3 =	vld.idx.msk [tilespmem:v5+s3+$0x0], $0xffff;
	_ =	sdelay $0x1  }
0x43: {  	v2 =	vld.idx.msk [tilespmem:v2+s3+$0x0], $0xffff;
	_ =	sdelay $0x1  }
0x44: {  	v4 =	vld.idx.msk [tilespmem:v4+s3+$0x0], $0xffff;
	_ =	sdelay $0x1  }
0x45: {  	s8 =	simm.s32 $0x12010  }
0x46: {  	v6 =	vld [tilespmem:s8+$0x0]  }
0x47: {  	v5 =	vld.idx.msk [tilespmem:v3+s25+$0x0], $0xffff;
	_ =	sdelay $0x1  }
0x48: {  	v3 =	vld.idx.msk [tilespmem:v2+s25+$0x0], $0xffff;
	_ =	sdelay $0x1  }
0x49: {  	v2 =	vld.idx.msk [tilespmem:v4+s25+$0x0], $0xffff  }
0x4a: {  	s13 =	simm.s32 $0x60;
	v4 =	vadd.f32 v5, v6  }
0x4b: {  	s9 =	simm.s32 $0x62;
	s11 =	simm.s32 $0x14000;
	s12 =	simm.s32 $0x92  }
.LBB2_2:
0x4c: {  	p0 =	sne.s32 s12, $0x5FD2;
	v5 =	vadd.s32 s13, v0;
	v3 =	vadd.f32 v3, v4  }
0x4d: {  	s13 =	sadd.s32 $0xFFFFFFFF, s9  }
0x4e: {  	v4 =	vadd.s32 s13, v0;
	v2 =	vadd.f32 v2, v3  }
0x4f: {  	s11 =	sadd.s32 $0x10, s11  }
0x50: {  	v3 =	vadd.s32 s9, v0;
	s9 =	smov.u32 s12;
	[tilespmem:s11+$0x0] =	vst v2  }
0x51: {  	v2 =	vld.idx.msk [tilespmem:v5+s3+$0x0], $0xffff;
	_ =	sdelay $0x1  }
0x52: {  	v4 =	vld.idx.msk [tilespmem:v4+s3+$0x0], $0xffff;
	_ =	sdelay $0x1  }
0x53: {  	v5 =	vld.idx.msk [tilespmem:v3+s3+$0x0], $0xffff;
	_ =	sdelay $0x3  }
0x54: {  	s8 =	sadd.s32 $0x10, s8;
	v6 =	vld.idx.msk [tilespmem:v2+s25+$0x0], $0xffff  }
0x55: {  	v7 =	vld [tilespmem:s8+$0x0]  }
0x56: {  	v3 =	vld.idx.msk [tilespmem:v4+s25+$0x0], $0xffff  }
.Ltmp0:
0x57: {  	(pc) =	sbr.rel @p0 .LBB2_2-.Ltmp0, $3  }
0x58: {  	v2 =	vld.idx.msk [tilespmem:v5+s25+$0x0], $0xffff;
	_ =	sdelay $0x1  }
0x59: {  	v4 =	vadd.f32 v6, v7  }
0x5a: {  	s12 =	sadd.s32 $0x30, s12;
	s13 =	sadd.s32 $0xFFFFFFFE, s9  }
0x5b: {  	v5 =	vadd.s32 s13, v0;
	v3 =	vadd.f32 v3, v4  }
0x5c: {  	s12 =	sadd.s32 $0xFFFFFFFF, s9  }
0x5d: {  	v2 =	vadd.f32 v2, v3;
	v3 =	vadd.s32 s12, v0  }
0x5e: {  	s11 =	sadd.s32 $0x10, s11  }
0x5f: {  	[tilespmem:s11+$0x0] =	vst v2;
	v2 =	vadd.s32 s9, v0  }
0x60: {  	v4 =	vld.idx.msk [tilespmem:v5+s3+$0x0], $0xffff;
	_ =	sdelay $0x1  }
0x61: {  	v3 =	vld.idx.msk [tilespmem:v3+s3+$0x0], $0xffff;
	_ =	sdelay $0x1  }
0x62: {  	v2 =	vld.idx.msk [tilespmem:v2+s3+$0x0], $0xffff;
	_ =	sdelay $0x1  }
0x63: {  	s8 =	sadd.s32 $0x10, s8  }
0x64: {  	v5 =	vld [tilespmem:s8+$0x0]  }
0x65: {  	v4 =	vld.idx.msk [tilespmem:v4+s25+$0x0], $0xffff;
	_ =	sdelay $0x1  }
0x66: {  	v3 =	vld.idx.msk [tilespmem:v3+s25+$0x0], $0xffff;
	_ =	sdelay $0x1  }
0x67: {  	v2 =	vld.idx.msk [tilespmem:v2+s25+$0x0], $0xffff  }
0x68: {  	v4 =	vadd.f32 v4, v5;
	_ =	sdelay $0x1  }
0x69: {  	v3 =	vadd.f32 v3, v4;
	_ =	sdelay $0x1  }
0x6a: {  	v2 =	vadd.f32 v2, v3  }
0x6b: {  	s26 =	sadd.s32 $0x10, s11  }
0x6c: {  	[tilespmem:s26+$0x0] =	vst v2  }
0x6d: {  	_ =	swait.ge [sflag:s29], $0x6000  }
0x6e: {  	[sflag:s29] =	ssyncset.done $0x0  }
0x6f: {  	s9 =	simm.s32 $0x0;
	[sflag:s29] =	ssyncadd.s32 $0xFFFFA000  }
0x70: {  	v3 =	vld [tilespmem:s9+$0x6000];
	_ =	sdelay $0x6  }
0x71: {  	v2 =	vld [tilespmem:s9+$0xC000]  }
0x72: {  	s12 =	simm.s32 $0x80;
	s11 =	simm.s32 $0x10;
	s8 =	simm.s32 $0x0;
	v3 =	vld.idx.msk [tilespmem:v3+s30+$0x0], $0xffff  }
.LBB2_4:
0x73: {  	p0 =	sne.s32 s12, $0x17FC0;
	v4 =	vld [tilespmem:s11+$0x6000];
	_ =	sdelay $0x3  }
.Ltmp1:
0x74: {  	(pc) =	sbr.rel @p0 .LBB2_4-.Ltmp1, $3  }
0x75: {  	v3 =	vsub.f32 v3, v2;
	_ =	sdelay $0x1  }
0x76: {  	v2 =	vld [tilespmem:s11+$0xC000];
	[tilespmem:s9+$0x16000] =	vst v3;
	s9 =	smov.u32 s11  }
0x77: {  	s11 =	sshra.s32 s12, $0x2;
	s12 =	sadd.s32 $0x40, s12;
	v3 =	vld.idx.msk [tilespmem:v4+s30+$0x0], $0xffff  }
0x78: {  	v4 =	vld [tilespmem:s11+$0x6000];
	_ =	sdelay $0x4  }
0x79: {  	v2 =	vsub.f32 v3, v2;
	_ =	sdelay $0x1  }
0x7a: {  	v3 =	vld [tilespmem:s11+$0xC000];
	[tilespmem:s9+$0x16000] =	vst v2  }
0x7b: {  	v2 =	vld.idx.msk [tilespmem:v4+s30+$0x0], $0xffff;
	_ =	sdelay $0x4  }
0x7c: {  	v2 =	vsub.f32 v2, v3;
	_ =	sdelay $0x1  }
0x7d: {  	[tilespmem:s11+$0x16000] =	vst v2  }
.LBB2_6:
0x7e: {  	s9 =	sshllo.u32 s8, $0x1  }
0x7f: {  	s12 =	simm.s32 $0x0;
	s11 =	smul.u32 $0xA000, s9  }
0x80: {  	s13 =	simm.s32 $0x1;
	v2 =	vadd.s32 s12, v1  }
0x81: {  	_ =	swait.ge [sflag:s31], $0x1400;
	s17 =	simm.s32 $0x2;
	v3 =	vadd.s32 s13, v1;
	s11 =	sadd.s32 s6, s11  }
0x82: {  	[sflag:s31] =	ssyncset.done $0x0;
	v4 =	vadd.s32 s17, v1;
	s11 =	sshrl.u32 s11, $0x3  }
0x83: {  	[sflag:s31] =	ssyncadd.s32 $0xFFFFEC00;
	s11 =	sadd.s32 s1, s11  }
0x84: {  	[tilespmem:s0], [sflag:$0x3] =	stream.strided.gather [hbm4b:s11+s23], $0x1400, s24, s23, $0x38;
	[tilespmem:$0x1E800] =	vst v63  }
0x85: {  	s26 =	simm.s32 $0x3;
	v2 =	vld.idx.msk [tilespmem:v2+s28+$0x0], $0xffff  }
0x86: {  	v5 =	vadd.s32 s26, v1;
	s13 =	simm.s32 $0x4;
	v3 =	vld.idx.msk [tilespmem:v3+s28+$0x0], $0xffff  }
0x87: {  	v6 =	vadd.s32 s13, v1;
	v4 =	vld.idx.msk [tilespmem:v4+s28+$0x0], $0xffff;
	_ =	sdelay $0x3  }
0x88: {  	v5 =	vld.idx.msk [tilespmem:v5+s28+$0x0], $0xffff  }
0x89: {  	v6 =	vld.idx.msk [tilespmem:v6+s28+$0x0], $0xffff  }
0x8a: {  	v7 =	vld.idx.msk [tilespmem:v2+s2+$0x0], $0xffff  }
0x8b: {  	v8 =	vld.idx.msk [tilespmem:v3+s2+$0x0], $0xffff  }
0x8c: {  	v4 =	vld.idx.msk [tilespmem:v4+s2+$0x0], $0xffff;
	_ =	sdelay $0x3  }
0x8d: {  	v9 =	vld.idx.msk [tilespmem:v5+s2+$0x0], $0xffff;
	v5 =	vand.u32 $0x7FFFFFFF, v7;
	v7 =	vxor.u32 v7, v8  }
0x8e: {  	v10 =	vand.u32 $0x7FFFFFFF, v8;
	v8 =	vand.u32 $0x7FFFFFFF, v4;
	v63 =	vxor.u32 v4, v7;
	v4 =	vld.idx.msk [tilespmem:v6+s2+$0x0], $0xffff;
	_ =	sdelay $0x1  }
0x8f: {  	s14 =	simm.s32 $0x50;
	s16 =	simm.s32 $0x51;
	s17 =	sshll.u32 s8, $0xB  }
0x90: {  	s12 =	simm.s32 $0x54;
	s26 =	sand.u32 $0x3FFFF800, s17;
	v3 =	vadd.s32 s14, v1;
	v2 =	vadd.s32 s16, v1;
	v5 =	vmin.f32 v5, v10  }
0x91: {  	s13 =	simm.s32 $0xA4;
	s11 =	sadd.s32 $0xC000, s26;
	s26 =	simm.s32 $0x0;
	v7 =	vand.u32 $0x7FFFFFFF, v9;
	v5 =	vmin.f32 v5, v8;
	v6 =	vxor.u32 v9, v63  }
.LBB2_7:
0x92: {  	p0 =	sne.s32 s13, $0x13B4;
	s14 =	sadd.s32 $0xFFFFFFFE, s12;
	v5 =	vmin.f32 v5, v7;
	v7 =	vand.u32 $0x7FFFFFFF, v4;
	v4 =	vxor.u32 v4, v6;
	s16 =	sand.u32 $0x380, s26  }
0x93: {  	s17 =	sand.u32 $0x70, s26;
	v6 =	vadd.s32 s14, v1;
	s14 =	sadd.s32 $0xFFFFFFFF, s12;
	v5 =	vmin.f32 v5, v7;
	v4 =	vand.u32 $0x80000000, v4;
	s16 =	sadd.s32 s16, s11  }
0x94: {  	v7 =	vadd.s32 s14, v1;
	v4 =	vor.u32 v5, v4;
	s14 =	sadd.s32 s17, s16  }
0x95: {  	v5 =	vadd.s32 s12, v1;
	s12 =	smov.u32 s13;
	[tilespmem:s14+$0x0] =	vst v4  }
0x96: {  	v3 =	vld.idx.msk [tilespmem:v3+s28+$0x0], $0xffff  }
0x97: {  	v2 =	vld.idx.msk [tilespmem:v2+s28+$0x0], $0xffff  }
0x98: {  	v4 =	vld.idx.msk [tilespmem:v6+s28+$0x0], $0xffff  }
0x99: {  	v6 =	vld.idx.msk [tilespmem:v7+s28+$0x0], $0xffff  }
0x9a: {  	v5 =	vld.idx.msk [tilespmem:v5+s28+$0x0], $0xffff;
	_ =	sdelay $0x3  }
0x9b: {  	v7 =	vld.idx.msk [tilespmem:v3+s2+$0x0], $0xffff  }
0x9c: {  	v8 =	vld.idx.msk [tilespmem:v2+s2+$0x0], $0xffff  }
0x9d: {  	v9 =	vld.idx.msk [tilespmem:v4+s2+$0x0], $0xffff  }
0x9e: {  	v6 =	vld.idx.msk [tilespmem:v6+s2+$0x0], $0xffff  }
0x9f: {  	v4 =	vld.idx.msk [tilespmem:v5+s2+$0x0], $0xffff  }
.Ltmp2:
0xa0: {  	s16 =	sadd.s32 $0xFFFFFFFD, s13;
	s14 =	sadd.s32 $0xFFFFFFFC, s13;
	(pc) =	sbr.rel @p0 .LBB2_7-.Ltmp2, $4  }
0xa1: {  	v3 =	vadd.s32 s14, v1;
	v2 =	vadd.s32 s16, v1  }
0xa2: {  	v5 =	vand.u32 $0x7FFFFFFF, v7;
	v10 =	vand.u32 $0x7FFFFFFF, v8;
	v7 =	vxor.u32 v7, v8  }
0xa3: {  	v5 =	vmin.f32 v5, v10;
	v8 =	vand.u32 $0x7FFFFFFF, v9;
	v9 =	vxor.u32 v9, v7  }
0xa4: {  	s26 =	sadd.s32 $0x10, s26;
	s13 =	sadd.s32 $0x50, s13;
	v5 =	vmin.f32 v5, v8;
	v7 =	vand.u32 $0x7FFFFFFF, v6;
	v6 =	vxor.u32 v6, v9  }
0xa5: {  	s13 =	sadd.s32 $0xFFFFFFFE, s12;
	v5 =	vmin.f32 v5, v7;
	v7 =	vand.u32 $0x7FFFFFFF, v4;
	v4 =	vxor.u32 v4, v6;
	s14 =	sand.u32 $0x380, s26  }
0xa6: {  	s17 =	sadd.s32 $0xFFFFFFFF, s12;
	s16 =	sand.u32 $0x70, s26;
	v6 =	vadd.s32 s13, v1;
	v5 =	vmin.f32 v5, v7;
	v4 =	vand.u32 $0x80000000, v4;
	s14 =	sadd.s32 s14, s11  }
0xa7: {  	v7 =	vadd.s32 s17, v1;
	v4 =	vor.u32 v5, v4;
	s16 =	sadd.s32 s16, s14  }
0xa8: {  	v5 =	vadd.s32 s12, v1;
	[tilespmem:s16+$0x0] =	vst v4  }
0xa9: {  	v3 =	vld.idx.msk [tilespmem:v3+s28+$0x0], $0xffff  }
0xaa: {  	v2 =	vld.idx.msk [tilespmem:v2+s28+$0x0], $0xffff  }
0xab: {  	v4 =	vld.idx.msk [tilespmem:v6+s28+$0x0], $0xffff  }
0xac: {  	v6 =	vld.idx.msk [tilespmem:v7+s28+$0x0], $0xffff  }
0xad: {  	v5 =	vld.idx.msk [tilespmem:v5+s28+$0x0], $0xffff;
	_ =	sdelay $0x3  }
0xae: {  	v3 =	vld.idx.msk [tilespmem:v3+s2+$0x0], $0xffff  }
0xaf: {  	v2 =	vld.idx.msk [tilespmem:v2+s2+$0x0], $0xffff  }
0xb0: {  	v4 =	vld.idx.msk [tilespmem:v4+s2+$0x0], $0xffff  }
0xb1: {  	v6 =	vld.idx.msk [tilespmem:v6+s2+$0x0], $0xffff  }
0xb2: {  	v5 =	vld.idx.msk [tilespmem:v5+s2+$0x0], $0xffff;
	_ =	sdelay $0x1  }
0xb3: {  	v7 =	vand.u32 $0x7FFFFFFF, v3;
	v8 =	vand.u32 $0x7FFFFFFF, v2;
	v2 =	vxor.u32 v3, v2  }
0xb4: {  	v3 =	vmin.f32 v7, v8;
	v7 =	vand.u32 $0x7FFFFFFF, v4;
	v2 =	vxor.u32 v4, v2  }
0xb5: {  	s17 =	sadd.s32 $0x10, s26;
	v4 =	vand.u32 $0x7FFFFFFF, v6;
	v3 =	vmin.f32 v3, v7;
	v2 =	vxor.u32 v6, v2  }
0xb6: {  	s26 =	sand.u32 $0x380, s17;
	v3 =	vmin.f32 v3, v4;
	v4 =	vand.u32 $0x7FFFFFFF, v5;
	v2 =	vxor.u32 v5, v2  }
0xb7: {  	p0 =	seq.s32 s8, $0xB;
	s12 =	sand.u32 $0x70, s17;
	s13 =	sadd.s32 s26, s11;
	v3 =	vmin.f32 v3, v4;
	v2 =	vand.u32 $0x80000000, v2  }
0xb8: {  	s14 =	simm.s32 $0x0;
	s11 =	sadd.s32 s12, s13;
	s12 =	smul.u32 @!p0 $0x14000, s8;
	v2 =	vor.u32 v3, v2  }
0xb9: {  	s17 =	simm.s32 $0x2;
	s16 =	simm.s32 $0x1;
	[tilespmem:s11+$0x0] =	vst v2;
	v2 =	vadd.s32 s14, v1  }
0xba: {  	s13 =	simm.s32 @!p0 $0x80;
	s12 =	sadd.s32 @!p0 s12, s10;
	v3 =	vadd.s32 s16, v1;
	_ =	swait.ge [sflag:s4], $0x1400  }
0xbb: {  	v4 =	vadd.s32 s17, v1;
	s16 =	simm.s32 @!p0 $0x1C000;
	s11 =	sshrl.u32 @!p0 s12, $0x3;
	[sflag:s4] =	ssyncset.done $0x0  }
0xbc: {  	s14 =	simm.s32 @!p0 $0x400;
	s11 =	sadd.s32 @!p0 s1, s11;
	[sflag:s4] =	ssyncadd.s32 $0xFFFFEC00  }
0xbd: {  	[tilespmem:s16], [sflag:$0x2] =	stream.strided.gather @!p0 [hbm4b:s11+s13], $0x1400, s14, s13, $0x38;
	[tilespmem:$0x1E800] =	vst v63  }
0xbe: {  	s26 =	simm.s32 $0x3;
	v2 =	vld.idx.msk [tilespmem:v2+s0+$0x0], $0xffff  }
0xbf: {  	v5 =	vadd.s32 s26, v1;
	s16 =	simm.s32 $0x4;
	v3 =	vld.idx.msk [tilespmem:v3+s0+$0x0], $0xffff  }
0xc0: {  	v6 =	vadd.s32 s16, v1;
	v4 =	vld.idx.msk [tilespmem:v4+s0+$0x0], $0xffff;
	_ =	sdelay $0x3  }
0xc1: {  	v5 =	vld.idx.msk [tilespmem:v5+s0+$0x0], $0xffff  }
0xc2: {  	v6 =	vld.idx.msk [tilespmem:v6+s0+$0x0], $0xffff  }
0xc3: {  	v7 =	vld.idx.msk [tilespmem:v2+s2+$0x0], $0xffff  }
0xc4: {  	v8 =	vld.idx.msk [tilespmem:v3+s2+$0x0], $0xffff  }
0xc5: {  	v4 =	vld.idx.msk [tilespmem:v4+s2+$0x0], $0xffff;
	_ =	sdelay $0x3  }
0xc6: {  	v9 =	vld.idx.msk [tilespmem:v5+s2+$0x0], $0xffff;
	v5 =	vand.u32 $0x7FFFFFFF, v7;
	v7 =	vxor.u32 v7, v8  }
0xc7: {  	v10 =	vand.u32 $0x7FFFFFFF, v8;
	v8 =	vand.u32 $0x7FFFFFFF, v4;
	v63 =	vxor.u32 v4, v7;
	v4 =	vld.idx.msk [tilespmem:v6+s2+$0x0], $0xffff  }
0xc8: {  	s9 =	sshll.u32 s9, $0xA  }
0xc9: {  	s9 =	sand.u32 $0x3FFFFC00, s9;
	s26 =	simm.s32 $0x51;
	s17 =	simm.s32 $0x50  }
0xca: {  	s9 =	sadd.s32 $0xC000, s9;
	v3 =	vadd.s32 s17, v1;
	v2 =	vadd.s32 s26, v1;
	v5 =	vmin.f32 v5, v10  }
0xcb: {  	s12 =	simm.s32 $0x54;
	s11 =	simm.s32 $0x0;
	s13 =	simm.s32 $0xA4;
	v7 =	vand.u32 $0x7FFFFFFF, v9;
	v5 =	vmin.f32 v5, v8;
	v6 =	vxor.u32 v9, v63  }
.LBB2_9:
0xcc: {  	p0 =	sne.s32 s13, $0x13B4;
	s14 =	sadd.s32 $0xFFFFFFFE, s12;
	v5 =	vmin.f32 v5, v7;
	v7 =	vand.u32 $0x7FFFFFFF, v4;
	v4 =	vxor.u32 v4, v6;
	s16 =	sand.u32 $0x380, s11  }
0xcd: {  	s17 =	sand.u32 $0x70, s11;
	v6 =	vadd.s32 s14, v1;
	s14 =	sadd.s32 $0xFFFFFFFF, s12;
	v5 =	vmin.f32 v5, v7;
	v4 =	vand.u32 $0x80000000, v4;
	s16 =	sadd.s32 s16, s9  }
0xce: {  	v7 =	vadd.s32 s14, v1;
	v4 =	vor.u32 v5, v4;
	s14 =	sadd.s32 s17, s16  }
0xcf: {  	v5 =	vadd.s32 s12, v1;
	s12 =	smov.u32 s13;
	[tilespmem:s14+$0x0] =	vst v4  }
0xd0: {  	v3 =	vld.idx.msk [tilespmem:v3+s0+$0x0], $0xffff  }
0xd1: {  	v2 =	vld.idx.msk [tilespmem:v2+s0+$0x0], $0xffff  }
0xd2: {  	v4 =	vld.idx.msk [tilespmem:v6+s0+$0x0], $0xffff  }
0xd3: {  	v6 =	vld.idx.msk [tilespmem:v7+s0+$0x0], $0xffff  }
0xd4: {  	v5 =	vld.idx.msk [tilespmem:v5+s0+$0x0], $0xffff;
	_ =	sdelay $0x3  }
0xd5: {  	v7 =	vld.idx.msk [tilespmem:v3+s2+$0x0], $0xffff  }
0xd6: {  	v8 =	vld.idx.msk [tilespmem:v2+s2+$0x0], $0xffff  }
0xd7: {  	v9 =	vld.idx.msk [tilespmem:v4+s2+$0x0], $0xffff  }
0xd8: {  	v6 =	vld.idx.msk [tilespmem:v6+s2+$0x0], $0xffff  }
0xd9: {  	v4 =	vld.idx.msk [tilespmem:v5+s2+$0x0], $0xffff  }
.Ltmp3:
0xda: {  	s16 =	sadd.s32 $0xFFFFFFFD, s13;
	s14 =	sadd.s32 $0xFFFFFFFC, s13;
	(pc) =	sbr.rel @p0 .LBB2_9-.Ltmp3, $4  }
0xdb: {  	v3 =	vadd.s32 s14, v1;
	v2 =	vadd.s32 s16, v1  }
0xdc: {  	v5 =	vand.u32 $0x7FFFFFFF, v7;
	v10 =	vand.u32 $0x7FFFFFFF, v8;
	v7 =	vxor.u32 v7, v8  }
0xdd: {  	v5 =	vmin.f32 v5, v10;
	v8 =	vand.u32 $0x7FFFFFFF, v9;
	v9 =	vxor.u32 v9, v7  }
0xde: {  	s11 =	sadd.s32 $0x10, s11;
	s13 =	sadd.s32 $0x50, s13;
	v5 =	vmin.f32 v5, v8;
	v7 =	vand.u32 $0x7FFFFFFF, v6;
	v6 =	vxor.u32 v6, v9  }
0xdf: {  	s13 =	sadd.s32 $0xFFFFFFFE, s12;
	v5 =	vmin.f32 v5, v7;
	v54 =	vand.u32 $0x7FFFFFFF, v4;
	v55 =	vxor.u32 v4, v6;
	s14 =	sand.u32 $0x380, s11  }
0xe0: {  	s26 =	sadd.s32 $0xFFFFFFFF, s12;
	s16 =	sand.u32 $0x70, s11;
	v56 =	vadd.s32 s13, v1;
	v5 =	vmin.f32 v5, v54;
	v4 =	vand.u32 $0x80000000, v55;
	s14 =	sadd.s32 s14, s9  }
0xe1: {  	v57 =	vadd.s32 s26, v1;
	v4 =	vor.u32 v5, v4;
	s14 =	sadd.s32 s16, s14  }
0xe2: {  	v58 =	vadd.s32 s12, v1;
	[tilespmem:s14+$0x0] =	vst v4  }
0xe3: {  	v3 =	vld.idx.msk [tilespmem:v3+s0+$0x0], $0xffff  }
0xe4: {  	v2 =	vld.idx.msk [tilespmem:v2+s0+$0x0], $0xffff  }
0xe5: {  	v4 =	vld.idx.msk [tilespmem:v56+s0+$0x0], $0xffff  }
0xe6: {  	v59 =	vld.idx.msk [tilespmem:v57+s0+$0x0], $0xffff  }
0xe7: {  	v5 =	vld.idx.msk [tilespmem:v58+s0+$0x0], $0xffff;
	_ =	sdelay $0x3  }
0xe8: {  	v3 =	vld.idx.msk [tilespmem:v3+s2+$0x0], $0xffff  }
0xe9: {  	v2 =	vld.idx.msk [tilespmem:v2+s2+$0x0], $0xffff  }
0xea: {  	v4 =	vld.idx.msk [tilespmem:v4+s2+$0x0], $0xffff  }
0xeb: {  	v6 =	vld.idx.msk [tilespmem:v59+s2+$0x0], $0xffff  }
0xec: {  	v5 =	vld.idx.msk [tilespmem:v5+s2+$0x0], $0xffff;
	_ =	sdelay $0x1  }
0xed: {  	s8 =	sadd.s32 $0x1, s8;
	v60 =	vand.u32 $0x7FFFFFFF, v3;
	v8 =	vand.u32 $0x7FFFFFFF, v2;
	v2 =	vxor.u32 v3, v2  }
0xee: {  	p0 =	sne.s32 s8, $0xC;
	v3 =	vmin.f32 v60, v8;
	v61 =	vand.u32 $0x7FFFFFFF, v4;
	v2 =	vxor.u32 v4, v2  }
.Ltmp4:
0xef: {  	s16 =	sadd.s32 $0x10, s11;
	v62 =	vand.u32 $0x7FFFFFFF, v6;
	v3 =	vmin.f32 v3, v61;
	v2 =	vxor.u32 v6, v2;
	(pc) =	sbr.rel @p0 .LBB2_6-.Ltmp4, $4  }
0xf0: {  	s17 =	sand.u32 $0x380, s16;
	v63 =	vand.u32 $0x7FFFFFFF, v5;
	v3 =	vmin.f32 v3, v62;
	v2 =	vxor.u32 v5, v2  }
0xf1: {  	s11 =	sand.u32 $0x70, s16;
	s26 =	sadd.s32 s17, s9;
	v3 =	vmin.f32 v3, v63;
	v2 =	vand.u32 $0x80000000, v2  }
0xf2: {  	s9 =	sadd.s32 s11, s26;
	v2 =	vor.u32 v3, v2  }
0xf3: {  	[tilespmem:s9+$0x0] =	vst v2  }
0xf4: {  	s8 =	simm.s32 $0x0  }
0xf5: {  	v2 =	vadd.s32 s8, v0  }
0xf6: {  	s13 =	simm.s32 $0x1  }
0xf7: {  	v3 =	vadd.s32 s13, v0  }
0xf8: {  	s9 =	rddreg [dreg:$0xd];
	s14 =	simm.s32 $0x2  }
0xf9: {  	[hbm4b:s9+s23] =	stream.strided.scatter [tilespmem:s25], [sflag:$0x1], $0x6000, s24, s23, $0x38;
	v4 =	vadd.s32 s14, v0;
	[tilespmem:$0x1E800] =	vst v63  }
0xfa: {  	v2 =	vld.idx.msk [tilespmem:v2+s3+$0x0], $0xffff;
	_ =	sdelay $0x1  }
0xfb: {  	v3 =	vld.idx.msk [tilespmem:v3+s3+$0x0], $0xffff;
	_ =	sdelay $0x1  }
0xfc: {  	v4 =	vld.idx.msk [tilespmem:v4+s3+$0x0], $0xffff;
	_ =	sdelay $0x1  }
0xfd: {  	s16 =	simm.s32 $0x12000  }
0xfe: {  	v5 =	vld [tilespmem:s16+$0x0]  }
0xff: {  	v2 =	vld.idx.msk [tilespmem:v2+s25+$0x0], $0xffff;
	_ =	sdelay $0x1  }
0x100: {  	v3 =	vld.idx.msk [tilespmem:v3+s25+$0x0], $0xffff;
	_ =	sdelay $0x1  }
0x101: {  	v4 =	vld.idx.msk [tilespmem:v4+s25+$0x0], $0xffff  }
0x102: {  	v2 =	vadd.f32 v2, v5;
	_ =	sdelay $0x1  }
0x103: {  	v2 =	vadd.f32 v3, v2  }
0x104: {  	s17 =	simm.s32 $0x30  }
0x105: {  	v5 =	vadd.s32 s17, v0;
	v2 =	vadd.f32 v4, v2  }
0x106: {  	s26 =	simm.s32 $0x31;
	s8 =	simm.s32 $0x14000  }
0x107: {  	[tilespmem:s8+$0x0] =	vst v2;
	v2 =	vadd.s32 s26, v0  }
0x108: {  	s11 =	simm.s32 $0x32  }
0x109: {  	v4 =	vadd.s32 s11, v0  }
0x10a: {  	v3 =	vld.idx.msk [tilespmem:v5+s3+$0x0], $0xffff;
	_ =	sdelay $0x1  }
0x10b: {  	v2 =	vld.idx.msk [tilespmem:v2+s3+$0x0], $0xffff;
	_ =	sdelay $0x1  }
0x10c: {  	v4 =	vld.idx.msk [tilespmem:v4+s3+$0x0], $0xffff;
	_ =	sdelay $0x1  }
0x10d: {  	s9 =	simm.s32 $0x12010  }
0x10e: {  	v6 =	vld [tilespmem:s9+$0x0]  }
0x10f: {  	v5 =	vld.idx.msk [tilespmem:v3+s25+$0x0], $0xffff;
	_ =	sdelay $0x1  }
0x110: {  	v3 =	vld.idx.msk [tilespmem:v2+s25+$0x0], $0xffff;
	_ =	sdelay $0x1  }
0x111: {  	v2 =	vld.idx.msk [tilespmem:v4+s25+$0x0], $0xffff  }
0x112: {  	v4 =	vadd.f32 v5, v6  }
0x113: {  	s12 =	simm.s32 $0x92;
	s13 =	simm.s32 $0x60;
	s11 =	simm.s32 $0x62  }
.LBB2_12:
0x114: {  	p0 =	sne.s32 s12, $0x5FD2;
	v5 =	vadd.s32 s13, v0;
	v3 =	vadd.f32 v3, v4  }
0x115: {  	s13 =	sadd.s32 $0xFFFFFFFF, s11  }
0x116: {  	v4 =	vadd.s32 s13, v0;
	v2 =	vadd.f32 v2, v3  }
0x117: {  	s8 =	sadd.s32 $0x10, s8  }
0x118: {  	v3 =	vadd.s32 s11, v0;
	s11 =	smov.u32 s12;
	[tilespmem:s8+$0x0] =	vst v2  }
0x119: {  	v2 =	vld.idx.msk [tilespmem:v5+s3+$0x0], $0xffff;
	_ =	sdelay $0x1  }
0x11a: {  	v4 =	vld.idx.msk [tilespmem:v4+s3+$0x0], $0xffff;
	_ =	sdelay $0x1  }
0x11b: {  	v5 =	vld.idx.msk [tilespmem:v3+s3+$0x0], $0xffff;
	_ =	sdelay $0x3  }
0x11c: {  	s9 =	sadd.s32 $0x10, s9;
	v6 =	vld.idx.msk [tilespmem:v2+s25+$0x0], $0xffff  }
0x11d: {  	v7 =	vld [tilespmem:s9+$0x0]  }
0x11e: {  	v3 =	vld.idx.msk [tilespmem:v4+s25+$0x0], $0xffff  }
.Ltmp5:
0x11f: {  	(pc) =	sbr.rel @p0 .LBB2_12-.Ltmp5, $3  }
0x120: {  	v2 =	vld.idx.msk [tilespmem:v5+s25+$0x0], $0xffff;
	_ =	sdelay $0x1  }
0x121: {  	v4 =	vadd.f32 v6, v7  }
0x122: {  	s12 =	sadd.s32 $0x30, s12;
	s13 =	sadd.s32 $0xFFFFFFFE, s11  }
0x123: {  	v5 =	vadd.s32 s13, v0;
	v3 =	vadd.f32 v3, v4  }
0x124: {  	s12 =	sadd.s32 $0xFFFFFFFF, s11  }
0x125: {  	v2 =	vadd.f32 v2, v3;
	v3 =	vadd.s32 s12, v0  }
0x126: {  	s8 =	sadd.s32 $0x10, s8  }
0x127: {  	[tilespmem:s8+$0x0] =	vst v2;
	v2 =	vadd.s32 s11, v0  }
0x128: {  	v4 =	vld.idx.msk [tilespmem:v5+s3+$0x0], $0xffff;
	_ =	sdelay $0x1  }
0x129: {  	v3 =	vld.idx.msk [tilespmem:v3+s3+$0x0], $0xffff;
	_ =	sdelay $0x1  }
0x12a: {  	v2 =	vld.idx.msk [tilespmem:v2+s3+$0x0], $0xffff;
	_ =	sdelay $0x1  }
0x12b: {  	s9 =	sadd.s32 $0x10, s9  }
0x12c: {  	v5 =	vld [tilespmem:s9+$0x0]  }
0x12d: {  	v4 =	vld.idx.msk [tilespmem:v4+s25+$0x0], $0xffff;
	_ =	sdelay $0x1  }
0x12e: {  	v3 =	vld.idx.msk [tilespmem:v3+s25+$0x0], $0xffff;
	_ =	sdelay $0x1  }
0x12f: {  	v2 =	vld.idx.msk [tilespmem:v2+s25+$0x0], $0xffff  }
0x130: {  	v4 =	vadd.f32 v4, v5;
	_ =	sdelay $0x1  }
0x131: {  	v3 =	vadd.f32 v3, v4;
	_ =	sdelay $0x1  }
0x132: {  	v2 =	vadd.f32 v2, v3  }
0x133: {  	s8 =	sadd.s32 $0x10, s8  }
0x134: {  	[tilespmem:s8+$0x0] =	vst v2  }
0x135: {  	_ =	swait.ge [sflag:s29], $0x6000  }
0x136: {  	[sflag:s29] =	ssyncset.done $0x0  }
0x137: {  	s8 =	simm.s32 $0x14000;
	s12 =	rddreg [dreg:$0xe];
	[sflag:s29] =	ssyncadd.s32 $0xFFFFA000  }
0x138: {  	[hbm4b:s12+s23] =	stream.strided.scatter [tilespmem:s8], [sflag:$0x4], $0x2000, s24, s23, $0x38;
	[tilespmem:$0x1E800] =	vst v63  }
0x139: {  	_ =	swait.ge [sflag:s5], $0x2000  }
0x13a: {  	[sflag:s5] =	ssyncset.done $0x0  }
0x13b: {  	s13 =	rddreg [dreg:$0xf];
	[sflag:s5] =	ssyncadd.s32 $0xFFFFE000  }
0x13c: {  	[tilespmem:s3], [sflag:$0x1] =	stream.strided.gather [hbm4b:s13+s23], $0x6000, s24, s23, $0x38;
	[tilespmem:$0x1E800] =	vst v63  }
0x13d: {  	s14 =	rddreg [dreg:$0x10]  }
0x13e: {  	[tilespmem:s25], [sflag:$0x1] =	stream.strided.gather [hbm4b:s14+s23], $0x6000, s24, s23, $0x38;
	[tilespmem:$0x1E800] =	vst v63  }
0x13f: {  	s9 =	simm.s32 $0x12000;
	s16 =	rddreg [dreg:$0x11]  }
0x140: {  	[tilespmem:s9], [sflag:$0x1] =	stream.strided.gather [hbm4b:s16+s23], $0x2000, s24, s23, $0x38;
	[tilespmem:$0x1E800] =	vst v63  }
0x141: {  	s26 =	simm.s32 $0x6000;
	s17 =	rddreg [dreg:$0x12]  }
0x142: {  	[tilespmem:s26], [sflag:$0x1] =	stream.strided.gather [hbm4b:s17+s23], $0x6000, s24, s23, $0x38;
	[tilespmem:$0x1E800] =	vst v63  }
0x143: {  	_ = 	snop  }
0x144: {  	[tilespmem:s28], [sflag:$0x2] =	stream.strided.gather [hbm4b:s18+s23], $0x1400, s24, s23, $0x38;
	[tilespmem:$0x1E800] =	vst v63  }
0x145: {  	_ =	swait.ge [sflag:s29], $0x6000  }
0x146: {  	[sflag:s29] =	ssyncset.done $0x0  }
0x147: {  	[sflag:s29] =	ssyncadd.s32 $0xFFFFA000  }
0x148: {  	s12 =	simm.s32 $0x0;
	_ =	swait.ge [sflag:s29], $0x6000  }
0x149: {  	v2 =	vadd.s32 s12, v0;
	[sflag:s29] =	ssyncset.done $0x0  }
0x14a: {  	s13 =	simm.s32 $0x1;
	[sflag:s29] =	ssyncadd.s32 $0xFFFFA000  }
0x14b: {  	v3 =	vadd.s32 s13, v0;
	_ =	swait.ge [sflag:s29], $0x2000  }
0x14c: {  	s14 =	simm.s32 $0x2;
	[sflag:s29] =	ssyncset.done $0x0  }
0x14d: {  	v4 =	vadd.s32 s14, v0;
	[sflag:s29] =	ssyncadd.s32 $0xFFFFE000  }
0x14e: {  	v2 =	vld.idx.msk [tilespmem:v2+s3+$0x0], $0xffff;
	_ =	sdelay $0x1  }
0x14f: {  	v3 =	vld.idx.msk [tilespmem:v3+s3+$0x0], $0xffff;
	_ =	sdelay $0x1  }
0x150: {  	v4 =	vld.idx.msk [tilespmem:v4+s3+$0x0], $0xffff;
	_ =	sdelay $0x2  }
0x151: {  	v5 =	vld [tilespmem:s9+$0x0]  }
0x152: {  	v2 =	vld.idx.msk [tilespmem:v2+s25+$0x0], $0xffff;
	_ =	sdelay $0x1  }
0x153: {  	v3 =	vld.idx.msk [tilespmem:v3+s25+$0x0], $0xffff;
	_ =	sdelay $0x1  }
0x154: {  	v4 =	vld.idx.msk [tilespmem:v4+s25+$0x0], $0xffff  }
0x155: {  	v2 =	vadd.f32 v2, v5;
	_ =	sdelay $0x1  }
0x156: {  	v2 =	vadd.f32 v3, v2  }
0x157: {  	s16 =	simm.s32 $0x30  }
0x158: {  	v5 =	vadd.s32 s16, v0;
	v2 =	vadd.f32 v4, v2  }
0x159: {  	s17 =	simm.s32 $0x31  }
0x15a: {  	[tilespmem:s8+$0x0] =	vst v2;
	v2 =	vadd.s32 s17, v0  }
0x15b: {  	s26 =	simm.s32 $0x32  }
0x15c: {  	v4 =	vadd.s32 s26, v0  }
0x15d: {  	v3 =	vld.idx.msk [tilespmem:v5+s3+$0x0], $0xffff;
	_ =	sdelay $0x1  }
0x15e: {  	v2 =	vld.idx.msk [tilespmem:v2+s3+$0x0], $0xffff;
	_ =	sdelay $0x1  }
0x15f: {  	v4 =	vld.idx.msk [tilespmem:v4+s3+$0x0], $0xffff;
	_ =	sdelay $0x1  }
0x160: {  	s9 =	simm.s32 $0x12010  }
0x161: {  	v6 =	vld [tilespmem:s9+$0x0]  }
0x162: {  	v5 =	vld.idx.msk [tilespmem:v3+s25+$0x0], $0xffff;
	_ =	sdelay $0x1  }
0x163: {  	v3 =	vld.idx.msk [tilespmem:v2+s25+$0x0], $0xffff;
	_ =	sdelay $0x1  }
0x164: {  	v2 =	vld.idx.msk [tilespmem:v4+s25+$0x0], $0xffff  }
0x165: {  	v4 =	vadd.f32 v5, v6  }
0x166: {  	s11 =	simm.s32 $0x62;
	s12 =	simm.s32 $0x92;
	s13 =	simm.s32 $0x60  }
.LBB2_14:
0x167: {  	p0 =	sne.s32 s12, $0x5FD2;
	v5 =	vadd.s32 s13, v0;
	v3 =	vadd.f32 v3, v4  }
0x168: {  	s13 =	sadd.s32 $0xFFFFFFFF, s11  }
0x169: {  	v4 =	vadd.s32 s13, v0;
	v2 =	vadd.f32 v2, v3  }
0x16a: {  	s8 =	sadd.s32 $0x10, s8  }
0x16b: {  	v3 =	vadd.s32 s11, v0;
	s11 =	smov.u32 s12;
	[tilespmem:s8+$0x0] =	vst v2  }
0x16c: {  	v2 =	vld.idx.msk [tilespmem:v5+s3+$0x0], $0xffff;
	_ =	sdelay $0x1  }
0x16d: {  	v4 =	vld.idx.msk [tilespmem:v4+s3+$0x0], $0xffff;
	_ =	sdelay $0x1  }
0x16e: {  	v5 =	vld.idx.msk [tilespmem:v3+s3+$0x0], $0xffff;
	_ =	sdelay $0x3  }
0x16f: {  	s9 =	sadd.s32 $0x10, s9;
	v6 =	vld.idx.msk [tilespmem:v2+s25+$0x0], $0xffff  }
0x170: {  	v7 =	vld [tilespmem:s9+$0x0]  }
0x171: {  	v3 =	vld.idx.msk [tilespmem:v4+s25+$0x0], $0xffff  }
.Ltmp6:
0x172: {  	(pc) =	sbr.rel @p0 .LBB2_14-.Ltmp6, $3  }
0x173: {  	v2 =	vld.idx.msk [tilespmem:v5+s25+$0x0], $0xffff;
	_ =	sdelay $0x1  }
0x174: {  	v4 =	vadd.f32 v6, v7  }
0x175: {  	s12 =	sadd.s32 $0x30, s12;
	s13 =	sadd.s32 $0xFFFFFFFE, s11  }
0x176: {  	v5 =	vadd.s32 s13, v0;
	v3 =	vadd.f32 v3, v4  }
0x177: {  	s12 =	sadd.s32 $0xFFFFFFFF, s11  }
0x178: {  	v2 =	vadd.f32 v2, v3;
	v3 =	vadd.s32 s12, v0  }
0x179: {  	s8 =	sadd.s32 $0x10, s8  }
0x17a: {  	[tilespmem:s8+$0x0] =	vst v2;
	v2 =	vadd.s32 s11, v0  }
0x17b: {  	v4 =	vld.idx.msk [tilespmem:v5+s3+$0x0], $0xffff;
	_ =	sdelay $0x1  }
0x17c: {  	v3 =	vld.idx.msk [tilespmem:v3+s3+$0x0], $0xffff;
	_ =	sdelay $0x1  }
0x17d: {  	v2 =	vld.idx.msk [tilespmem:v2+s3+$0x0], $0xffff;
	_ =	sdelay $0x1  }
0x17e: {  	s9 =	sadd.s32 $0x10, s9  }
0x17f: {  	v5 =	vld [tilespmem:s9+$0x0]  }
0x180: {  	v4 =	vld.idx.msk [tilespmem:v4+s25+$0x0], $0xffff;
	_ =	sdelay $0x1  }
0x181: {  	v3 =	vld.idx.msk [tilespmem:v3+s25+$0x0], $0xffff;
	_ =	sdelay $0x1  }
0x182: {  	v2 =	vld.idx.msk [tilespmem:v2+s25+$0x0], $0xffff  }
0x183: {  	v4 =	vadd.f32 v4, v5;
	_ =	sdelay $0x1  }
0x184: {  	v3 =	vadd.f32 v3, v4;
	_ =	sdelay $0x1  }
0x185: {  	v2 =	vadd.f32 v2, v3  }
0x186: {  	s8 =	sadd.s32 $0x10, s8  }
0x187: {  	[tilespmem:s8+$0x0] =	vst v2  }
0x188: {  	_ =	swait.ge [sflag:s29], $0x6000  }
0x189: {  	[sflag:s29] =	ssyncset.done $0x0  }
0x18a: {  	s9 =	simm.s32 $0x0;
	[sflag:s29] =	ssyncadd.s32 $0xFFFFA000  }
0x18b: {  	v3 =	vld [tilespmem:s9+$0x6000];
	_ =	sdelay $0x6  }
0x18c: {  	v2 =	vld [tilespmem:s9+$0xC000]  }
0x18d: {  	s12 =	simm.s32 $0x80;
	s11 =	simm.s32 $0x10;
	s8 =	simm.s32 $0x0;
	v3 =	vld.idx.msk [tilespmem:v3+s30+$0x0], $0xffff  }
.LBB2_16:
0x18e: {  	p0 =	sne.s32 s12, $0x17FC0;
	v4 =	vld [tilespmem:s11+$0x6000];
	_ =	sdelay $0x3  }
.Ltmp7:
0x18f: {  	(pc) =	sbr.rel @p0 .LBB2_16-.Ltmp7, $3  }
0x190: {  	v3 =	vsub.f32 v3, v2;
	_ =	sdelay $0x1  }
0x191: {  	v2 =	vld [tilespmem:s11+$0xC000];
	[tilespmem:s9+$0x16000] =	vst v3;
	s9 =	smov.u32 s11  }
0x192: {  	s11 =	sshra.s32 s12, $0x2;
	s12 =	sadd.s32 $0x40, s12;
	v3 =	vld.idx.msk [tilespmem:v4+s30+$0x0], $0xffff  }
0x193: {  	v4 =	vld [tilespmem:s11+$0x6000];
	_ =	sdelay $0x4  }
0x194: {  	v2 =	vsub.f32 v3, v2;
	_ =	sdelay $0x1  }
0x195: {  	v3 =	vld [tilespmem:s11+$0xC000];
	[tilespmem:s9+$0x16000] =	vst v2  }
0x196: {  	v2 =	vld.idx.msk [tilespmem:v4+s30+$0x0], $0xffff;
	_ =	sdelay $0x4  }
0x197: {  	v2 =	vsub.f32 v2, v3;
	_ =	sdelay $0x1  }
0x198: {  	[tilespmem:s11+$0x16000] =	vst v2  }
.LBB2_18:
0x199: {  	s9 =	sshllo.u32 s8, $0x1  }
0x19a: {  	s12 =	simm.s32 $0x0;
	s11 =	smul.u32 $0xA000, s9  }
0x19b: {  	s13 =	simm.s32 $0x1;
	v2 =	vadd.s32 s12, v1  }
0x19c: {  	_ =	swait.ge [sflag:s31], $0x1400;
	s17 =	simm.s32 $0x2;
	v3 =	vadd.s32 s13, v1;
	s11 =	sadd.s32 s15, s11  }
0x19d: {  	[sflag:s31] =	ssyncset.done $0x0;
	v4 =	vadd.s32 s17, v1;
	s11 =	sshrl.u32 s11, $0x3  }
0x19e: {  	[sflag:s31] =	ssyncadd.s32 $0xFFFFEC00;
	s11 =	sadd.s32 s1, s11  }
0x19f: {  	[tilespmem:s0], [sflag:$0x3] =	stream.strided.gather [hbm4b:s11+s23], $0x1400, s24, s23, $0x38;
	[tilespmem:$0x1E800] =	vst v63  }
0x1a0: {  	s26 =	simm.s32 $0x3;
	v2 =	vld.idx.msk [tilespmem:v2+s28+$0x0], $0xffff  }
0x1a1: {  	v5 =	vadd.s32 s26, v1;
	s13 =	simm.s32 $0x4;
	v3 =	vld.idx.msk [tilespmem:v3+s28+$0x0], $0xffff  }
0x1a2: {  	v6 =	vadd.s32 s13, v1;
	v4 =	vld.idx.msk [tilespmem:v4+s28+$0x0], $0xffff;
	_ =	sdelay $0x3  }
0x1a3: {  	v5 =	vld.idx.msk [tilespmem:v5+s28+$0x0], $0xffff  }
0x1a4: {  	v6 =	vld.idx.msk [tilespmem:v6+s28+$0x0], $0xffff  }
0x1a5: {  	v7 =	vld.idx.msk [tilespmem:v2+s2+$0x0], $0xffff  }
0x1a6: {  	v8 =	vld.idx.msk [tilespmem:v3+s2+$0x0], $0xffff  }
0x1a7: {  	v4 =	vld.idx.msk [tilespmem:v4+s2+$0x0], $0xffff;
	_ =	sdelay $0x3  }
0x1a8: {  	v9 =	vld.idx.msk [tilespmem:v5+s2+$0x0], $0xffff;
	v5 =	vand.u32 $0x7FFFFFFF, v7;
	v7 =	vxor.u32 v7, v8  }
0x1a9: {  	v10 =	vand.u32 $0x7FFFFFFF, v8;
	v8 =	vand.u32 $0x7FFFFFFF, v4;
	v63 =	vxor.u32 v4, v7;
	v4 =	vld.idx.msk [tilespmem:v6+s2+$0x0], $0xffff;
	_ =	sdelay $0x1  }
0x1aa: {  	s14 =	simm.s32 $0x50;
	s16 =	simm.s32 $0x51;
	s17 =	sshll.u32 s8, $0xB  }
0x1ab: {  	s12 =	simm.s32 $0x54;
	s26 =	sand.u32 $0x3FFFF800, s17;
	v3 =	vadd.s32 s14, v1;
	v2 =	vadd.s32 s16, v1;
	v5 =	vmin.f32 v5, v10  }
0x1ac: {  	s13 =	simm.s32 $0xA4;
	s11 =	sadd.s32 $0xC000, s26;
	s26 =	simm.s32 $0x0;
	v7 =	vand.u32 $0x7FFFFFFF, v9;
	v5 =	vmin.f32 v5, v8;
	v6 =	vxor.u32 v9, v63  }
.LBB2_19:
0x1ad: {  	p0 =	sne.s32 s13, $0x13B4;
	s14 =	sadd.s32 $0xFFFFFFFE, s12;
	v5 =	vmin.f32 v5, v7;
	v7 =	vand.u32 $0x7FFFFFFF, v4;
	v4 =	vxor.u32 v4, v6;
	s16 =	sand.u32 $0x380, s26  }
0x1ae: {  	s17 =	sand.u32 $0x70, s26;
	v6 =	vadd.s32 s14, v1;
	s14 =	sadd.s32 $0xFFFFFFFF, s12;
	v5 =	vmin.f32 v5, v7;
	v4 =	vand.u32 $0x80000000, v4;
	s16 =	sadd.s32 s16, s11  }
0x1af: {  	v7 =	vadd.s32 s14, v1;
	v4 =	vor.u32 v5, v4;
	s14 =	sadd.s32 s17, s16  }
0x1b0: {  	v5 =	vadd.s32 s12, v1;
	s12 =	smov.u32 s13;
	[tilespmem:s14+$0x0] =	vst v4  }
0x1b1: {  	v3 =	vld.idx.msk [tilespmem:v3+s28+$0x0], $0xffff  }
0x1b2: {  	v2 =	vld.idx.msk [tilespmem:v2+s28+$0x0], $0xffff  }
0x1b3: {  	v4 =	vld.idx.msk [tilespmem:v6+s28+$0x0], $0xffff  }
0x1b4: {  	v6 =	vld.idx.msk [tilespmem:v7+s28+$0x0], $0xffff  }
0x1b5: {  	v5 =	vld.idx.msk [tilespmem:v5+s28+$0x0], $0xffff;
	_ =	sdelay $0x3  }
0x1b6: {  	v7 =	vld.idx.msk [tilespmem:v3+s2+$0x0], $0xffff  }
0x1b7: {  	v8 =	vld.idx.msk [tilespmem:v2+s2+$0x0], $0xffff  }
0x1b8: {  	v9 =	vld.idx.msk [tilespmem:v4+s2+$0x0], $0xffff  }
0x1b9: {  	v6 =	vld.idx.msk [tilespmem:v6+s2+$0x0], $0xffff  }
0x1ba: {  	v4 =	vld.idx.msk [tilespmem:v5+s2+$0x0], $0xffff  }
.Ltmp8:
0x1bb: {  	s16 =	sadd.s32 $0xFFFFFFFD, s13;
	s14 =	sadd.s32 $0xFFFFFFFC, s13;
	(pc) =	sbr.rel @p0 .LBB2_19-.Ltmp8, $4  }
0x1bc: {  	v3 =	vadd.s32 s14, v1;
	v2 =	vadd.s32 s16, v1  }
0x1bd: {  	v5 =	vand.u32 $0x7FFFFFFF, v7;
	v10 =	vand.u32 $0x7FFFFFFF, v8;
	v7 =	vxor.u32 v7, v8  }
0x1be: {  	v5 =	vmin.f32 v5, v10;
	v8 =	vand.u32 $0x7FFFFFFF, v9;
	v9 =	vxor.u32 v9, v7  }
0x1bf: {  	s26 =	sadd.s32 $0x10, s26;
	s13 =	sadd.s32 $0x50, s13;
	v5 =	vmin.f32 v5, v8;
	v7 =	vand.u32 $0x7FFFFFFF, v6;
	v6 =	vxor.u32 v6, v9  }
0x1c0: {  	s13 =	sadd.s32 $0xFFFFFFFE, s12;
	v5 =	vmin.f32 v5, v7;
	v7 =	vand.u32 $0x7FFFFFFF, v4;
	v4 =	vxor.u32 v4, v6;
	s14 =	sand.u32 $0x380, s26  }
0x1c1: {  	s17 =	sadd.s32 $0xFFFFFFFF, s12;
	s16 =	sand.u32 $0x70, s26;
	v6 =	vadd.s32 s13, v1;
	v5 =	vmin.f32 v5, v7;
	v4 =	vand.u32 $0x80000000, v4;
	s14 =	sadd.s32 s14, s11  }
0x1c2: {  	v7 =	vadd.s32 s17, v1;
	v4 =	vor.u32 v5, v4;
	s16 =	sadd.s32 s16, s14  }
0x1c3: {  	v5 =	vadd.s32 s12, v1;
	[tilespmem:s16+$0x0] =	vst v4  }
0x1c4: {  	v3 =	vld.idx.msk [tilespmem:v3+s28+$0x0], $0xffff  }
0x1c5: {  	v2 =	vld.idx.msk [tilespmem:v2+s28+$0x0], $0xffff  }
0x1c6: {  	v4 =	vld.idx.msk [tilespmem:v6+s28+$0x0], $0xffff  }
0x1c7: {  	v6 =	vld.idx.msk [tilespmem:v7+s28+$0x0], $0xffff  }
0x1c8: {  	v5 =	vld.idx.msk [tilespmem:v5+s28+$0x0], $0xffff;
	_ =	sdelay $0x3  }
0x1c9: {  	v3 =	vld.idx.msk [tilespmem:v3+s2+$0x0], $0xffff  }
0x1ca: {  	v2 =	vld.idx.msk [tilespmem:v2+s2+$0x0], $0xffff  }
0x1cb: {  	v4 =	vld.idx.msk [tilespmem:v4+s2+$0x0], $0xffff  }
0x1cc: {  	v6 =	vld.idx.msk [tilespmem:v6+s2+$0x0], $0xffff  }
0x1cd: {  	v5 =	vld.idx.msk [tilespmem:v5+s2+$0x0], $0xffff;
	_ =	sdelay $0x1  }
0x1ce: {  	v7 =	vand.u32 $0x7FFFFFFF, v3;
	v8 =	vand.u32 $0x7FFFFFFF, v2;
	v2 =	vxor.u32 v3, v2  }
0x1cf: {  	v3 =	vmin.f32 v7, v8;
	v7 =	vand.u32 $0x7FFFFFFF, v4;
	v2 =	vxor.u32 v4, v2  }
0x1d0: {  	s17 =	sadd.s32 $0x10, s26;
	v4 =	vand.u32 $0x7FFFFFFF, v6;
	v3 =	vmin.f32 v3, v7;
	v2 =	vxor.u32 v6, v2  }
0x1d1: {  	s26 =	sand.u32 $0x380, s17;
	v3 =	vmin.f32 v3, v4;
	v4 =	vand.u32 $0x7FFFFFFF, v5;
	v2 =	vxor.u32 v5, v2  }
0x1d2: {  	p0 =	seq.s32 s8, $0xB;
	s12 =	sand.u32 $0x70, s17;
	s13 =	sadd.s32 s26, s11;
	v3 =	vmin.f32 v3, v4;
	v2 =	vand.u32 $0x80000000, v2  }
0x1d3: {  	s14 =	simm.s32 $0x0;
	s11 =	sadd.s32 s12, s13;
	s12 =	smul.u32 @!p0 $0x14000, s8;
	v2 =	vor.u32 v3, v2  }
0x1d4: {  	s17 =	simm.s32 $0x2;
	s16 =	simm.s32 $0x1;
	[tilespmem:s11+$0x0] =	vst v2;
	v2 =	vadd.s32 s14, v1  }
0x1d5: {  	s13 =	simm.s32 @!p0 $0x80;
	s12 =	sadd.s32 @!p0 s12, s19;
	v3 =	vadd.s32 s16, v1;
	_ =	swait.ge [sflag:s4], $0x1400  }
0x1d6: {  	v4 =	vadd.s32 s17, v1;
	s16 =	simm.s32 @!p0 $0x1C000;
	s11 =	sshrl.u32 @!p0 s12, $0x3;
	[sflag:s4] =	ssyncset.done $0x0  }
0x1d7: {  	s14 =	simm.s32 @!p0 $0x400;
	s11 =	sadd.s32 @!p0 s1, s11;
	[sflag:s4] =	ssyncadd.s32 $0xFFFFEC00  }
0x1d8: {  	[tilespmem:s16], [sflag:$0x2] =	stream.strided.gather @!p0 [hbm4b:s11+s13], $0x1400, s14, s13, $0x38;
	[tilespmem:$0x1E800] =	vst v63  }
0x1d9: {  	s26 =	simm.s32 $0x3;
	v2 =	vld.idx.msk [tilespmem:v2+s0+$0x0], $0xffff  }
0x1da: {  	v5 =	vadd.s32 s26, v1;
	s16 =	simm.s32 $0x4;
	v3 =	vld.idx.msk [tilespmem:v3+s0+$0x0], $0xffff  }
0x1db: {  	v6 =	vadd.s32 s16, v1;
	v4 =	vld.idx.msk [tilespmem:v4+s0+$0x0], $0xffff;
	_ =	sdelay $0x3  }
0x1dc: {  	v5 =	vld.idx.msk [tilespmem:v5+s0+$0x0], $0xffff  }
0x1dd: {  	v6 =	vld.idx.msk [tilespmem:v6+s0+$0x0], $0xffff  }
0x1de: {  	v7 =	vld.idx.msk [tilespmem:v2+s2+$0x0], $0xffff  }
0x1df: {  	v8 =	vld.idx.msk [tilespmem:v3+s2+$0x0], $0xffff  }
0x1e0: {  	v4 =	vld.idx.msk [tilespmem:v4+s2+$0x0], $0xffff;
	_ =	sdelay $0x3  }
0x1e1: {  	v9 =	vld.idx.msk [tilespmem:v5+s2+$0x0], $0xffff;
	v5 =	vand.u32 $0x7FFFFFFF, v7;
	v7 =	vxor.u32 v7, v8  }
0x1e2: {  	v10 =	vand.u32 $0x7FFFFFFF, v8;
	v8 =	vand.u32 $0x7FFFFFFF, v4;
	v63 =	vxor.u32 v4, v7;
	v4 =	vld.idx.msk [tilespmem:v6+s2+$0x0], $0xffff  }
0x1e3: {  	s9 =	sshll.u32 s9, $0xA  }
0x1e4: {  	s9 =	sand.u32 $0x3FFFFC00, s9;
	s26 =	simm.s32 $0x51;
	s17 =	simm.s32 $0x50  }
0x1e5: {  	s9 =	sadd.s32 $0xC000, s9;
	v3 =	vadd.s32 s17, v1;
	v2 =	vadd.s32 s26, v1;
	v5 =	vmin.f32 v5, v10  }
0x1e6: {  	s12 =	simm.s32 $0x54;
	s11 =	simm.s32 $0x0;
	s13 =	simm.s32 $0xA4;
	v7 =	vand.u32 $0x7FFFFFFF, v9;
	v5 =	vmin.f32 v5, v8;
	v6 =	vxor.u32 v9, v63  }
.LBB2_21:
0x1e7: {  	p0 =	sne.s32 s13, $0x13B4;
	s14 =	sadd.s32 $0xFFFFFFFE, s12;
	v5 =	vmin.f32 v5, v7;
	v7 =	vand.u32 $0x7FFFFFFF, v4;
	v4 =	vxor.u32 v4, v6;
	s16 =	sand.u32 $0x380, s11  }
0x1e8: {  	s17 =	sand.u32 $0x70, s11;
	v6 =	vadd.s32 s14, v1;
	s14 =	sadd.s32 $0xFFFFFFFF, s12;
	v5 =	vmin.f32 v5, v7;
	v4 =	vand.u32 $0x80000000, v4;
	s16 =	sadd.s32 s16, s9  }
0x1e9: {  	v7 =	vadd.s32 s14, v1;
	v4 =	vor.u32 v5, v4;
	s14 =	sadd.s32 s17, s16  }
0x1ea: {  	v5 =	vadd.s32 s12, v1;
	s12 =	smov.u32 s13;
	[tilespmem:s14+$0x0] =	vst v4  }
0x1eb: {  	v3 =	vld.idx.msk [tilespmem:v3+s0+$0x0], $0xffff  }
0x1ec: {  	v2 =	vld.idx.msk [tilespmem:v2+s0+$0x0], $0xffff  }
0x1ed: {  	v4 =	vld.idx.msk [tilespmem:v6+s0+$0x0], $0xffff  }
0x1ee: {  	v6 =	vld.idx.msk [tilespmem:v7+s0+$0x0], $0xffff  }
0x1ef: {  	v5 =	vld.idx.msk [tilespmem:v5+s0+$0x0], $0xffff;
	_ =	sdelay $0x3  }
0x1f0: {  	v7 =	vld.idx.msk [tilespmem:v3+s2+$0x0], $0xffff  }
0x1f1: {  	v8 =	vld.idx.msk [tilespmem:v2+s2+$0x0], $0xffff  }
0x1f2: {  	v9 =	vld.idx.msk [tilespmem:v4+s2+$0x0], $0xffff  }
0x1f3: {  	v6 =	vld.idx.msk [tilespmem:v6+s2+$0x0], $0xffff  }
0x1f4: {  	v4 =	vld.idx.msk [tilespmem:v5+s2+$0x0], $0xffff  }
.Ltmp9:
0x1f5: {  	s16 =	sadd.s32 $0xFFFFFFFD, s13;
	s14 =	sadd.s32 $0xFFFFFFFC, s13;
	(pc) =	sbr.rel @p0 .LBB2_21-.Ltmp9, $4  }
0x1f6: {  	v3 =	vadd.s32 s14, v1;
	v2 =	vadd.s32 s16, v1  }
0x1f7: {  	v5 =	vand.u32 $0x7FFFFFFF, v7;
	v10 =	vand.u32 $0x7FFFFFFF, v8;
	v7 =	vxor.u32 v7, v8  }
0x1f8: {  	v5 =	vmin.f32 v5, v10;
	v8 =	vand.u32 $0x7FFFFFFF, v9;
	v9 =	vxor.u32 v9, v7  }
0x1f9: {  	s11 =	sadd.s32 $0x10, s11;
	s13 =	sadd.s32 $0x50, s13;
	v5 =	vmin.f32 v5, v8;
	v7 =	vand.u32 $0x7FFFFFFF, v6;
	v6 =	vxor.u32 v6, v9  }
0x1fa: {  	s13 =	sadd.s32 $0xFFFFFFFE, s12;
	v5 =	vmin.f32 v5, v7;
	v54 =	vand.u32 $0x7FFFFFFF, v4;
	v55 =	vxor.u32 v4, v6;
	s14 =	sand.u32 $0x380, s11  }
0x1fb: {  	s26 =	sadd.s32 $0xFFFFFFFF, s12;
	s16 =	sand.u32 $0x70, s11;
	v56 =	vadd.s32 s13, v1;
	v5 =	vmin.f32 v5, v54;
	v4 =	vand.u32 $0x80000000, v55;
	s14 =	sadd.s32 s14, s9  }
0x1fc: {  	v57 =	vadd.s32 s26, v1;
	v4 =	vor.u32 v5, v4;
	s14 =	sadd.s32 s16, s14  }
0x1fd: {  	v58 =	vadd.s32 s12, v1;
	[tilespmem:s14+$0x0] =	vst v4  }
0x1fe: {  	v3 =	vld.idx.msk [tilespmem:v3+s0+$0x0], $0xffff  }
0x1ff: {  	v2 =	vld.idx.msk [tilespmem:v2+s0+$0x0], $0xffff  }
0x200: {  	v4 =	vld.idx.msk [tilespmem:v56+s0+$0x0], $0xffff  }
0x201: {  	v59 =	vld.idx.msk [tilespmem:v57+s0+$0x0], $0xffff  }
0x202: {  	v5 =	vld.idx.msk [tilespmem:v58+s0+$0x0], $0xffff;
	_ =	sdelay $0x3  }
0x203: {  	v3 =	vld.idx.msk [tilespmem:v3+s2+$0x0], $0xffff  }
0x204: {  	v2 =	vld.idx.msk [tilespmem:v2+s2+$0x0], $0xffff  }
0x205: {  	v4 =	vld.idx.msk [tilespmem:v4+s2+$0x0], $0xffff  }
0x206: {  	v6 =	vld.idx.msk [tilespmem:v59+s2+$0x0], $0xffff  }
0x207: {  	v5 =	vld.idx.msk [tilespmem:v5+s2+$0x0], $0xffff;
	_ =	sdelay $0x1  }
0x208: {  	s8 =	sadd.s32 $0x1, s8;
	v60 =	vand.u32 $0x7FFFFFFF, v3;
	v8 =	vand.u32 $0x7FFFFFFF, v2;
	v2 =	vxor.u32 v3, v2  }
0x209: {  	p0 =	sne.s32 s8, $0xC;
	v3 =	vmin.f32 v60, v8;
	v61 =	vand.u32 $0x7FFFFFFF, v4;
	v2 =	vxor.u32 v4, v2  }
.Ltmp10:
0x20a: {  	s16 =	sadd.s32 $0x10, s11;
	v62 =	vand.u32 $0x7FFFFFFF, v6;
	v3 =	vmin.f32 v3, v61;
	v2 =	vxor.u32 v6, v2;
	(pc) =	sbr.rel @p0 .LBB2_18-.Ltmp10, $4  }
0x20b: {  	s17 =	sand.u32 $0x380, s16;
	v63 =	vand.u32 $0x7FFFFFFF, v5;
	v3 =	vmin.f32 v3, v62;
	v2 =	vxor.u32 v5, v2  }
0x20c: {  	s11 =	sand.u32 $0x70, s16;
	s26 =	sadd.s32 s17, s9;
	v3 =	vmin.f32 v3, v63;
	v2 =	vand.u32 $0x80000000, v2  }
0x20d: {  	s9 =	sadd.s32 s11, s26;
	v2 =	vor.u32 v3, v2  }
0x20e: {  	[tilespmem:s9+$0x0] =	vst v2  }
0x20f: {  	s8 =	simm.s32 $0x0  }
0x210: {  	v2 =	vadd.s32 s8, v0  }
0x211: {  	s14 =	simm.s32 $0x1  }
0x212: {  	v3 =	vadd.s32 s14, v0  }
0x213: {  	s16 =	simm.s32 $0x2  }
0x214: {  	[hbm4b:s20+s23] =	stream.strided.scatter [tilespmem:s25], [sflag:$0x1], $0x6000, s24, s23, $0x38;
	v4 =	vadd.s32 s16, v0;
	[tilespmem:$0x1E800] =	vst v63  }
0x215: {  	v2 =	vld.idx.msk [tilespmem:v2+s3+$0x0], $0xffff;
	_ =	sdelay $0x1  }
0x216: {  	v3 =	vld.idx.msk [tilespmem:v3+s3+$0x0], $0xffff;
	_ =	sdelay $0x1  }
0x217: {  	v4 =	vld.idx.msk [tilespmem:v4+s3+$0x0], $0xffff;
	_ =	sdelay $0x1  }
0x218: {  	s17 =	simm.s32 $0x12000  }
0x219: {  	v5 =	vld [tilespmem:s17+$0x0]  }
0x21a: {  	v2 =	vld.idx.msk [tilespmem:v2+s25+$0x0], $0xffff;
	_ =	sdelay $0x1  }
0x21b: {  	v3 =	vld.idx.msk [tilespmem:v3+s25+$0x0], $0xffff;
	_ =	sdelay $0x1  }
0x21c: {  	v4 =	vld.idx.msk [tilespmem:v4+s25+$0x0], $0xffff  }
0x21d: {  	v2 =	vadd.f32 v2, v5;
	_ =	sdelay $0x1  }
0x21e: {  	v2 =	vadd.f32 v3, v2  }
0x21f: {  	s26 =	simm.s32 $0x30  }
0x220: {  	v5 =	vadd.s32 s26, v0;
	v2 =	vadd.f32 v4, v2  }
0x221: {  	s9 =	simm.s32 $0x31;
	s8 =	simm.s32 $0x14000  }
0x222: {  	[tilespmem:s8+$0x0] =	vst v2;
	v2 =	vadd.s32 s9, v0  }
0x223: {  	s11 =	simm.s32 $0x32  }
0x224: {  	v4 =	vadd.s32 s11, v0  }
0x225: {  	v3 =	vld.idx.msk [tilespmem:v5+s3+$0x0], $0xffff;
	_ =	sdelay $0x1  }
0x226: {  	v2 =	vld.idx.msk [tilespmem:v2+s3+$0x0], $0xffff;
	_ =	sdelay $0x1  }
0x227: {  	v4 =	vld.idx.msk [tilespmem:v4+s3+$0x0], $0xffff;
	_ =	sdelay $0x1  }
0x228: {  	s9 =	simm.s32 $0x12010  }
0x229: {  	v6 =	vld [tilespmem:s9+$0x0]  }
0x22a: {  	v5 =	vld.idx.msk [tilespmem:v3+s25+$0x0], $0xffff;
	_ =	sdelay $0x1  }
0x22b: {  	v3 =	vld.idx.msk [tilespmem:v2+s25+$0x0], $0xffff;
	_ =	sdelay $0x1  }
0x22c: {  	v2 =	vld.idx.msk [tilespmem:v4+s25+$0x0], $0xffff  }
0x22d: {  	v4 =	vadd.f32 v5, v6  }
0x22e: {  	s13 =	simm.s32 $0x60;
	s12 =	simm.s32 $0x92;
	s11 =	simm.s32 $0x62  }
.LBB2_24:
0x22f: {  	p0 =	sne.s32 s12, $0x5FD2;
	v5 =	vadd.s32 s13, v0;
	v3 =	vadd.f32 v3, v4  }
0x230: {  	s13 =	sadd.s32 $0xFFFFFFFF, s11  }
0x231: {  	v4 =	vadd.s32 s13, v0;
	v2 =	vadd.f32 v2, v3  }
0x232: {  	s8 =	sadd.s32 $0x10, s8  }
0x233: {  	v3 =	vadd.s32 s11, v0;
	s11 =	smov.u32 s12;
	[tilespmem:s8+$0x0] =	vst v2  }
0x234: {  	v2 =	vld.idx.msk [tilespmem:v5+s3+$0x0], $0xffff;
	_ =	sdelay $0x1  }
0x235: {  	v4 =	vld.idx.msk [tilespmem:v4+s3+$0x0], $0xffff;
	_ =	sdelay $0x1  }
0x236: {  	v5 =	vld.idx.msk [tilespmem:v3+s3+$0x0], $0xffff;
	_ =	sdelay $0x3  }
0x237: {  	s9 =	sadd.s32 $0x10, s9;
	v6 =	vld.idx.msk [tilespmem:v2+s25+$0x0], $0xffff  }
0x238: {  	v7 =	vld [tilespmem:s9+$0x0]  }
0x239: {  	v3 =	vld.idx.msk [tilespmem:v4+s25+$0x0], $0xffff  }
.Ltmp11:
0x23a: {  	(pc) =	sbr.rel @p0 .LBB2_24-.Ltmp11, $3  }
0x23b: {  	v2 =	vld.idx.msk [tilespmem:v5+s25+$0x0], $0xffff;
	_ =	sdelay $0x1  }
0x23c: {  	v4 =	vadd.f32 v6, v7  }
0x23d: {  	s12 =	sadd.s32 $0x30, s12;
	s13 =	sadd.s32 $0xFFFFFFFE, s11  }
0x23e: {  	v5 =	vadd.s32 s13, v0;
	v3 =	vadd.f32 v3, v4  }
0x23f: {  	s12 =	sadd.s32 $0xFFFFFFFF, s11  }
0x240: {  	v2 =	vadd.f32 v2, v3;
	v3 =	vadd.s32 s12, v0  }
0x241: {  	s8 =	sadd.s32 $0x10, s8  }
0x242: {  	[tilespmem:s8+$0x0] =	vst v2;
	v2 =	vadd.s32 s11, v0  }
0x243: {  	v62 =	vld.idx.msk [tilespmem:v5+s3+$0x0], $0xffff;
	_ =	sdelay $0x1  }
0x244: {  	v3 =	vld.idx.msk [tilespmem:v3+s3+$0x0], $0xffff;
	_ =	sdelay $0x1  }
0x245: {  	v2 =	vld.idx.msk [tilespmem:v2+s3+$0x0], $0xffff;
	_ =	sdelay $0x1  }
0x246: {  	s9 =	sadd.s32 $0x10, s9  }
0x247: {  	v63 =	vld [tilespmem:s9+$0x0]  }
0x248: {  	v4 =	vld.idx.msk [tilespmem:v62+s25+$0x0], $0xffff;
	_ =	sdelay $0x1  }
0x249: {  	v3 =	vld.idx.msk [tilespmem:v3+s25+$0x0], $0xffff;
	_ =	sdelay $0x1  }
0x24a: {  	v2 =	vld.idx.msk [tilespmem:v2+s25+$0x0], $0xffff  }
0x24b: {  	v4 =	vadd.f32 v4, v63;
	_ =	sdelay $0x1  }
0x24c: {  	v3 =	vadd.f32 v3, v4;
	_ =	sdelay $0x1  }
0x24d: {  	v2 =	vadd.f32 v2, v3  }
0x24e: {  	s8 =	sadd.s32 $0x10, s8  }
0x24f: {  	[tilespmem:s8+$0x0] =	vst v2  }
0x250: {  	s7 =	sadd.s32 $0x1, s7;
	_ =	swait.ge [sflag:s29], $0x6000  }
0x251: {  	p0 =	sne.s32 s7, s22;
	[sflag:s29] =	ssyncset.done $0x0  }
.Ltmp12:
0x252: {  	[sflag:s29] =	ssyncadd.s32 $0xFFFFA000;
	(pc) =	sbr.rel @p0 .LBB2_1-.Ltmp12, $4  }
0x253: {  	[hbm4b:s21+s23] =	stream.strided.scatter [tilespmem:s30], [sflag:$0x4], $0x2000, s24, s23, $0x38;
	[tilespmem:$0x1E800] =	vst v63  }
0x254: {  	_ =	swait.ge [sflag:s5], $0x2000  }
0x255: {  	[sflag:s5] =	ssyncset.done $0x0  }
0x256: {  	[sflag:s5] =	ssyncadd.s32 $0xFFFFE000  }
0x257: {  	_ =	sfence.sel $0x180000  }
0x258: {  	[bflag:$0x0] =	sbarrier.arrive $0xFFFF  }
0x259: {  	_ =	strace $0x90000047  }
0x25a: {  	s0 =	stileid.u32;
	[bflag:$0x2] =	sbarrier.arrive $0xFFFF  }
0x25b: {  	p0 =	sne.s32 s0, $0x0;
	s0 =	rddreg [dreg:$0x7]  }
0x25c: {  	s0 =	sadd.s32 @!p0 $0x100000, s0  }
0x25d: {  	[sflag:s0] =	ssyncadd.tile.s32 @!p0 $0x1;
	_ =	shalt  }
.Lfunc_end2:
_tile_overlayer_lowered:
.L_overlay_start_2:
0x25e: {  	(tag) =	ssettag $0x2  }
0x25f: {  	s0 =	rddreg [dreg:$0x0];
	s2 =	stileid.u32  }
0x260: {  	s1 =	rddreg [dreg:$0x1];
	p0 =	sne.s32 s2, $0x0  }
0x261: {  	s3 =	rddreg [dreg:$0x2];
	[bflag:$0x3] =	sbarrier.arrive $0xFFFF;
	s2 =	simm.s32 @!p0 $0x1C04  }
0x262: {  	[timem:s3], [sflag:s2] =	dma.local @!p0 [hbm:s0], s1  }
0x263: {  	s0 =	simm.s32 @!p0 $0x4  }
0x264: {  	_ =	swait.ge @!p0 [sflag:s0], s1  }
0x265: {  	s1 =	ssub.s32 @!p0 $0x0, s1;
	[sflag:s0] =	ssyncset.done @!p0 $0x0  }
0x266: {  	[sflag:s0] =	ssyncadd.s32 @!p0 s1  }
0x267: {  	[bflag:$0x3] =	sbarrier.arrive $0xFFFF  }
0x268: {  	_ =	shalt  }

</sc_bundles>
